<compile_context>
chip_gen: v7x
topology: tpu7x:2x2x1
jax: 0.10.2.dev20260603
libtpu: 0.0.44.dev20260713+nightly
codegen_flags: <defaults>
</compile_context>

<pallas_src>
import functools

import jax
import jax.numpy as jnp
from jax import lax
from jax.experimental import pallas as pl
from jax.experimental.pallas import tpu as pltpu
from jax.experimental.pallas import tpu_sc as plsc

N = 4096
B = 32
L = 12
CH = 16
NCH = N // CH


def _sc_body(xt, ch_h, sh_h, sw_h, ore, oim, ch_v, sh_v, sw_v,
             a_r, a_i, b_r, b_i):
    w = lax.axis_index("s") * 2 + lax.axis_index("c")
    pltpu.sync_copy(xt.at[w], a_r)
    pltpu.sync_copy(ch_h, ch_v)
    pltpu.sync_copy(sh_h, sh_v)
    pltpu.sync_copy(sw_h, sw_v)

    for j in range(L):
        stride = 1 << (L - 1 - j)
        cj = ch_v[j, :]
        sj = sh_v[j, :]
        src_r, src_i = (a_r, a_i) if j % 2 == 0 else (b_r, b_i)
        dst_r, dst_i = (b_r, b_i) if j % 2 == 0 else (a_r, a_i)

        swap_idx = sw_v[j - (L - 4), :] if stride < CH else None

        def step(n, _, stride=stride, cj=cj, sj=sj, first=(j == 0),
                 swap_idx=swap_idx,
                 src_r=src_r, src_i=src_i, dst_r=dst_r, dst_i=dst_i):
            base = n * CH
            xr = src_r[pl.ds(base, CH)]
            xi = None if first else src_i[pl.ds(base, CH)]
            if stride >= CH:
                pb = jax.lax.bitwise_xor(base, stride)
                pr = src_r[pl.ds(pb, CH)]
                pi = None if first else src_i[pl.ds(pb, CH)]
            else:
                pr = xr[swap_idx]
                pi = None if first else xi[swap_idx]
            if first:
                dst_r[pl.ds(base, CH)] = cj * xr
                dst_i[pl.ds(base, CH)] = -sj * pr
            else:
                dst_r[pl.ds(base, CH)] = cj * xr + sj * pi
                dst_i[pl.ds(base, CH)] = cj * xi - sj * pr
            return 0

        lax.fori_loop(0, NCH, step, 0)

    pltpu.sync_copy(a_r, ore.at[w])
    pltpu.sync_copy(a_i, oim.at[w])


def kernel(x, angle, S):
    del S
    half = 0.5 * angle.astype(jnp.float32)
    ch = jnp.repeat(jnp.cos(half).reshape(L, 1), CH, axis=1)
    sh = jnp.repeat(jnp.sin(half).reshape(L, 1), CH, axis=1)
    sw = jnp.array([[l ^ (1 << (3 - r)) for l in range(CH)] for r in range(4)],
                   dtype=jnp.int32)
    xt = x.T

    sc_call = functools.partial(
        pl.kernel,
        mesh=plsc.VectorSubcoreMesh(core_axis_name="c", subcore_axis_name="s"),
        out_type=[
            jax.ShapeDtypeStruct((B, N), jnp.float32),
            jax.ShapeDtypeStruct((B, N), jnp.float32),
        ],
        scratch_types=[
            pltpu.VMEM((L, CH), jnp.float32),
            pltpu.VMEM((L, CH), jnp.float32),
            pltpu.VMEM((4, CH), jnp.int32),
            pltpu.VMEM((N,), jnp.float32),
            pltpu.VMEM((N,), jnp.float32),
            pltpu.VMEM((N,), jnp.float32),
            pltpu.VMEM((N,), jnp.float32),
        ],
    )(_sc_body)
    re, im = sc_call(xt, ch, sh, sw)
    return jax.lax.complex(re.T, im.T)

# --- scband reference (transcript-rebuilt; emitter-appended) ---
"""Pipeline reference for scband-rgate-56573309222986 (READ-ONLY COPY).

The authoritative reference and input builder live on the scoring server;
editing this copy changes nothing except your own understanding.
"""

import jax, jax.numpy as jnp
import numpy as np
from math import log

D_QUDIT = 2

def _base(D):
    return jnp.eye(D, dtype=jnp.complex64).reshape((D, D, 1))

def _Sx(j, k, b):
    # Sx(j,k) = |j><k| + |k><j|
    return (jnp.kron(b[j], b[k].T) + jnp.kron(b[k], b[j].T)).astype(jnp.complex64)

def setup_inputs(seed: int = 0) -> dict:
    key = jax.random.key(seed)
    k1, k2 = jax.random.split(key)
    x = jax.random.normal(k1, (4096, 32), dtype=jnp.float32)
    # learned parameter: one rotation angle per indexed qubit (index = range(12))
    angle = jax.random.uniform(k2, (12,), dtype=jnp.float32)
    S = _Sx(0, 1, _base(D_QUDIT))
    return {"x": x, "angle": angle, "S": S}

def reference(x, angle, S):
    D = D_QUDIT
    L = round(log(x.shape[0], D))
    U = jnp.eye(1, dtype=jnp.complex64)
    for i in range(L):
        # index covers all qubits, so every step applies the rotation gate
        M = jax.scipy.linalg.expm(-0.5j * angle[i].astype(jnp.complex64) * S)
        U = jnp.kron(U, M.astype(jnp.complex64))
    return U @ x.astype(jnp.complex64)

if __name__ == "__main__":
    import jax
    _d = setup_inputs()
    print(jax.jit(kernel)(*tuple(_d.values())))

</pallas_src>

<mosaic_0001>
#map = affine_map<(d0, d1) -> (0, 0)>
module attributes {stable_mosaic.version = 14 : i64} {
  func.func @_sc_body(%arg0: i32, %arg1: i32, %arg2: memref<32x4096xf32, #tpu.memory_space<hbm>>, %arg3: memref<12x16xf32, #tpu.memory_space<hbm>>, %arg4: memref<12x16xf32, #tpu.memory_space<hbm>>, %arg5: memref<4x16xi32, #tpu.memory_space<hbm>>, %arg6: memref<32x4096xf32, #tpu.memory_space<hbm>>, %arg7: memref<32x4096xf32, #tpu.memory_space<hbm>>, %arg8: memref<12x16xf32, #tpu.memory_space<vmem>>, %arg9: memref<12x16xf32, #tpu.memory_space<vmem>>, %arg10: memref<4x16xi32, #tpu.memory_space<vmem>>, %arg11: memref<4096xf32, #tpu.memory_space<vmem>>, %arg12: memref<4096xf32, #tpu.memory_space<vmem>>, %arg13: memref<4096xf32, #tpu.memory_space<vmem>>, %arg14: memref<4096xf32, #tpu.memory_space<vmem>>) attributes {dimension_semantics = [#tpu.dimension_semantics<core_parallel>, #tpu.dimension_semantics<subcore_parallel>], iteration_bounds = array<i64: 2, 16>, scalar_prefetch = 0 : i64, scratch_operands = 7 : i64, tpu.core_type = #tpu.core_type<sc_vector_subcore>, window_params = [{transform_indices = #map}, {transform_indices = #map}, {transform_indices = #map}, {transform_indices = #map}, {transform_indices = #map}, {transform_indices = #map}]} {
    %mul3A = arith.constant 2 : i32
    %mul3A_0 = arith.muli %arg1, %mul3A : i32
    %add3A = arith.addi %mul3A_0, %arg0 : i32
    "tpu.region"() ({
      %run_scoped3A = tpu.sem_alloc : memref<!tpu.dma_semaphore, #tpu.memory_space<semaphore_mem>>
      %dma_start3A = arith.constant 0 : i32
      %dma_start3A_223 = tpu.memref_slice %arg2[%add3A, %dma_start3A] : memref<32x4096xf32, #tpu.memory_space<hbm>> -> memref<1x4096xf32, #tpu.memory_space<hbm>>
      %dma_start3A_224 = tpu.memref_squeeze %dma_start3A_223 : memref<1x4096xf32, #tpu.memory_space<hbm>> -> memref<4096xf32, #tpu.memory_space<hbm>>
      %dma_start3A_225 = arith.constant 0 : i32
      %dma_start3A_226 = tpu.memref_slice %arg2[%add3A, %dma_start3A_225] : memref<32x4096xf32, #tpu.memory_space<hbm>> -> memref<1x4096xf32, #tpu.memory_space<hbm>>
      %dma_start3A_227 = tpu.memref_squeeze %dma_start3A_226 : memref<1x4096xf32, #tpu.memory_space<hbm>> -> memref<4096xf32, #tpu.memory_space<hbm>>
      tpu.enqueue_dma source(%dma_start3A_227 : memref<4096xf32, #tpu.memory_space<hbm>>) target(%arg11 : memref<4096xf32, #tpu.memory_space<vmem>>) target_semaphore(%run_scoped3A : memref<!tpu.dma_semaphore, #tpu.memory_space<semaphore_mem>>)
      %dma_wait3A = arith.constant 0 : i32
      %dma_wait3A_228 = tpu.memref_slice %arg2[%add3A, %dma_wait3A] : memref<32x4096xf32, #tpu.memory_space<hbm>> -> memref<1x4096xf32, #tpu.memory_space<hbm>>
      %dma_wait3A_229 = tpu.memref_squeeze %dma_wait3A_228 : memref<1x4096xf32, #tpu.memory_space<hbm>> -> memref<4096xf32, #tpu.memory_space<hbm>>
      %dma_wait3A_230 = arith.constant 0 : i32
      %dma_wait3A_231 = tpu.memref_slice %arg2[%add3A, %dma_wait3A_230] : memref<32x4096xf32, #tpu.memory_space<hbm>> -> memref<1x4096xf32, #tpu.memory_space<hbm>>
      %dma_wait3A_232 = tpu.memref_squeeze %dma_wait3A_231 : memref<1x4096xf32, #tpu.memory_space<hbm>> -> memref<4096xf32, #tpu.memory_space<hbm>>
      tpu.wait_dma2 semaphore(%run_scoped3A : memref<!tpu.dma_semaphore, #tpu.memory_space<semaphore_mem>>) src(%dma_wait3A_232 : memref<4096xf32, #tpu.memory_space<hbm>>) dst(%arg11 : memref<4096xf32, #tpu.memory_space<vmem>>)
      tpu.yield
    }) : () -> ()
    "tpu.region"() ({
      %run_scoped3A = tpu.sem_alloc : memref<!tpu.dma_semaphore, #tpu.memory_space<semaphore_mem>>
      tpu.enqueue_dma source(%arg3 : memref<12x16xf32, #tpu.memory_space<hbm>>) target(%arg8 : memref<12x16xf32, #tpu.memory_space<vmem>>) target_semaphore(%run_scoped3A : memref<!tpu.dma_semaphore, #tpu.memory_space<semaphore_mem>>)
      tpu.wait_dma2 semaphore(%run_scoped3A : memref<!tpu.dma_semaphore, #tpu.memory_space<semaphore_mem>>) src(%arg3 : memref<12x16xf32, #tpu.memory_space<hbm>>) dst(%arg8 : memref<12x16xf32, #tpu.memory_space<vmem>>)
      tpu.yield
    }) : () -> ()
    "tpu.region"() ({
      %run_scoped3A = tpu.sem_alloc : memref<!tpu.dma_semaphore, #tpu.memory_space<semaphore_mem>>
      tpu.enqueue_dma source(%arg4 : memref<12x16xf32, #tpu.memory_space<hbm>>) target(%arg9 : memref<12x16xf32, #tpu.memory_space<vmem>>) target_semaphore(%run_scoped3A : memref<!tpu.dma_semaphore, #tpu.memory_space<semaphore_mem>>)
      tpu.wait_dma2 semaphore(%run_scoped3A : memref<!tpu.dma_semaphore, #tpu.memory_space<semaphore_mem>>) src(%arg4 : memref<12x16xf32, #tpu.memory_space<hbm>>) dst(%arg9 : memref<12x16xf32, #tpu.memory_space<vmem>>)
      tpu.yield
    }) : () -> ()
    "tpu.region"() ({
      %run_scoped3A = tpu.sem_alloc : memref<!tpu.dma_semaphore, #tpu.memory_space<semaphore_mem>>
      tpu.enqueue_dma source(%arg5 : memref<4x16xi32, #tpu.memory_space<hbm>>) target(%arg10 : memref<4x16xi32, #tpu.memory_space<vmem>>) target_semaphore(%run_scoped3A : memref<!tpu.dma_semaphore, #tpu.memory_space<semaphore_mem>>)
      tpu.wait_dma2 semaphore(%run_scoped3A : memref<!tpu.dma_semaphore, #tpu.memory_space<semaphore_mem>>) src(%arg5 : memref<4x16xi32, #tpu.memory_space<hbm>>) dst(%arg10 : memref<4x16xi32, #tpu.memory_space<vmem>>)
      tpu.yield
    }) : () -> ()
    %get3A = arith.constant 0 : i32
    %get3A_1 = arith.index_cast %get3A : i32 to index
    %get3A_2 = arith.constant 0 : index
    %get3A_3 = tpu.vector_load %arg8[%get3A_1, %get3A_2] {strides = array<i32>} : memref<12x16xf32, #tpu.memory_space<vmem>>, vector<1x16xf32>,
    %get3A_4 = vector.shape_cast %get3A_3 : vector<1x16xf32> to vector<16xf32>
    %get3A_5 = arith.constant 0 : i32
    %get3A_6 = arith.index_cast %get3A_5 : i32 to index
    %get3A_7 = arith.constant 0 : index
    %get3A_8 = tpu.vector_load %arg9[%get3A_6, %get3A_7] {strides = array<i32>} : memref<12x16xf32, #tpu.memory_space<vmem>>, vector<1x16xf32>,
    %get3A_9 = vector.shape_cast %get3A_8 : vector<1x16xf32> to vector<16xf32>
    %scan3A = arith.constant 0 : i32
    %scan3A_10 = arith.constant 0 : i32
    %scan3A_11 = arith.constant 256 : i32
    %scan3A_12 = arith.addi %scan3A_10, %scan3A_11 : i32
    %scan3A_13 = arith.constant 1 : i32
    %scan3A_14 = scf.for %scan3A_223 = %scan3A_10 to %scan3A_12 step %scan3A_13 iter_args(%scan3A_224 = %scan3A) -> (i32)  : i32 {
      %mul3A_225 = arith.constant 16 : i32
      %mul3A_226 = arith.muli %scan3A_223, %mul3A_225 : i32
      %get3A_227 = arith.index_cast %mul3A_226 : i32 to index
      %get3A_228 = tpu.vector_load %arg11[%get3A_227] {strides = array<i32>} : memref<4096xf32, #tpu.memory_space<vmem>>, vector<16xf32>,
      %get3A_229 = vector.shape_cast %get3A_228 : vector<16xf32> to vector<16xf32>
      %xor3A = arith.constant 2048 : i32
      %xor3A_230 = arith.xori %mul3A_226, %xor3A : i32
      %get3A_231 = arith.index_cast %xor3A_230 : i32 to index
      %get3A_232 = tpu.vector_load %arg11[%get3A_231] {strides = array<i32>} : memref<4096xf32, #tpu.memory_space<vmem>>, vector<16xf32>,
      %get3A_233 = vector.shape_cast %get3A_232 : vector<16xf32> to vector<16xf32>
      %mul3A_234 = arith.mulf %get3A_4, %get3A_229 : vector<16xf32>
      %swap3A = arith.index_cast %mul3A_226 : i32 to index
      %swap3A_235 = tpu.vector_load %arg13[%swap3A] {strides = array<i32>} : memref<4096xf32, #tpu.memory_space<vmem>>, vector<16xf32>,
      %swap3A_236 = vector.shape_cast %swap3A_235 : vector<16xf32> to vector<16xf32>
      %swap3A_237 = vector.shape_cast %mul3A_234 : vector<16xf32> to vector<16xf32>
      tpu.vector_store %arg13[%swap3A], %swap3A_237 {strides = array<i32>} : memref<4096xf32, #tpu.memory_space<vmem>>, vector<16xf32>,
      %neg3A = arith.constant 0.000000e+00 : f32
      %neg3A_238 = vector.broadcast %neg3A : f32 to vector<16xf32>
      %neg3A_239 = arith.subf %neg3A_238, %get3A_9 : vector<16xf32>
      %mul3A_240 = arith.mulf %neg3A_239, %get3A_233 : vector<16xf32>
      %swap3A_241 = arith.index_cast %mul3A_226 : i32 to index
      %swap3A_242 = tpu.vector_load %arg14[%swap3A_241] {strides = array<i32>} : memref<4096xf32, #tpu.memory_space<vmem>>, vector<16xf32>,
      %swap3A_243 = vector.shape_cast %swap3A_242 : vector<16xf32> to vector<16xf32>
      %swap3A_244 = vector.shape_cast %mul3A_240 : vector<16xf32> to vector<16xf32>
      tpu.vector_store %arg14[%swap3A_241], %swap3A_244 {strides = array<i32>} : memref<4096xf32, #tpu.memory_space<vmem>>, vector<16xf32>,
      %scan3A_245 = arith.constant 0 : i32
      scf.yield %scan3A_245 : i32
    }
    %scan3A_15 = arith.constant 256 : i32
    %get3A_16 = arith.constant 1 : i32
    %get3A_17 = arith.index_cast %get3A_16 : i32 to index
    %get3A_18 = arith.constant 0 : index
    %get3A_19 = tpu.vector_load %arg8[%get3A_17, %get3A_18] {strides = array<i32>} : memref<12x16xf32, #tpu.memory_space<vmem>>, vector<1x16xf32>,
    %get3A_20 = vector.shape_cast %get3A_19 : vector<1x16xf32> to vector<16xf32>
    %get3A_21 = arith.constant 1 : i32
    %get3A_22 = arith.index_cast %get3A_21 : i32 to index
    %get3A_23 = arith.constant 0 : index
    %get3A_24 = tpu.vector_load %arg9[%get3A_22, %get3A_23] {strides = array<i32>} : memref<12x16xf32, #tpu.memory_space<vmem>>, vector<1x16xf32>,
    %get3A_25 = vector.shape_cast %get3A_24 : vector<1x16xf32> to vector<16xf32>
    %scan3A_26 = arith.constant 0 : i32
    %scan3A_27 = arith.constant 0 : i32
    %scan3A_28 = arith.constant 256 : i32
    %scan3A_29 = arith.addi %scan3A_27, %scan3A_28 : i32
    %scan3A_30 = arith.constant 1 : i32
    %scan3A_31 = scf.for %scan3A_223 = %scan3A_27 to %scan3A_29 step %scan3A_30 iter_args(%scan3A_224 = %scan3A_26) -> (i32)  : i32 {
      %mul3A_225 = arith.constant 16 : i32
      %mul3A_226 = arith.muli %scan3A_223, %mul3A_225 : i32
      %get3A_227 = arith.index_cast %mul3A_226 : i32 to index
      %get3A_228 = tpu.vector_load %arg13[%get3A_227] {strides = array<i32>} : memref<4096xf32, #tpu.memory_space<vmem>>, vector<16xf32>,
      %get3A_229 = vector.shape_cast %get3A_228 : vector<16xf32> to vector<16xf32>
      %get3A_230 = arith.index_cast %mul3A_226 : i32 to index
      %get3A_231 = tpu.vector_load %arg14[%get3A_230] {strides = array<i32>} : memref<4096xf32, #tpu.memory_space<vmem>>, vector<16xf32>,
      %get3A_232 = vector.shape_cast %get3A_231 : vector<16xf32> to vector<16xf32>
      %xor3A = arith.constant 1024 : i32
      %xor3A_233 = arith.xori %mul3A_226, %xor3A : i32
      %get3A_234 = arith.index_cast %xor3A_233 : i32 to index
      %get3A_235 = tpu.vector_load %arg13[%get3A_234] {strides = array<i32>} : memref<4096xf32, #tpu.memory_space<vmem>>, vector<16xf32>,
      %get3A_236 = vector.shape_cast %get3A_235 : vector<16xf32> to vector<16xf32>
      %get3A_237 = arith.index_cast %xor3A_233 : i32 to index
      %get3A_238 = tpu.vector_load %arg14[%get3A_237] {strides = array<i32>} : memref<4096xf32, #tpu.memory_space<vmem>>, vector<16xf32>,
      %get3A_239 = vector.shape_cast %get3A_238 : vector<16xf32> to vector<16xf32>
      %mul3A_240 = arith.mulf %get3A_20, %get3A_229 : vector<16xf32>
      %mul3A_241 = arith.mulf %get3A_25, %get3A_239 : vector<16xf32>
      %add3A_242 = arith.addf %mul3A_240, %mul3A_241 : vector<16xf32>
      %swap3A = arith.index_cast %mul3A_226 : i32 to index
      %swap3A_243 = tpu.vector_load %arg11[%swap3A] {strides = array<i32>} : memref<4096xf32, #tpu.memory_space<vmem>>, vector<16xf32>,
      %swap3A_244 = vector.shape_cast %swap3A_243 : vector<16xf32> to vector<16xf32>
      %swap3A_245 = vector.shape_cast %add3A_242 : vector<16xf32> to vector<16xf32>
      tpu.vector_store %arg11[%swap3A], %swap3A_245 {strides = array<i32>} : memref<4096xf32, #tpu.memory_space<vmem>>, vector<16xf32>,
      %mul3A_246 = arith.mulf %get3A_20, %get3A_232 : vector<16xf32>
      %mul3A_247 = arith.mulf %get3A_25, %get3A_236 : vector<16xf32>
      %sub3A = arith.subf %mul3A_246, %mul3A_247 : vector<16xf32>
      %swap3A_248 = arith.index_cast %mul3A_226 : i32 to index
      %swap3A_249 = tpu.vector_load %arg12[%swap3A_248] {strides = array<i32>} : memref<4096xf32, #tpu.memory_space<vmem>>, vector<16xf32>,
      %swap3A_250 = vector.shape_cast %swap3A_249 : vector<16xf32> to vector<16xf32>
      %swap3A_251 = vector.shape_cast %sub3A : vector<16xf32> to vector<16xf32>
      tpu.vector_store %arg12[%swap3A_248], %swap3A_251 {strides = array<i32>} : memref<4096xf32, #tpu.memory_space<vmem>>, vector<16xf32>,
      %scan3A_252 = arith.constant 0 : i32
      scf.yield %scan3A_252 : i32
    }
    %scan3A_32 = arith.constant 256 : i32
    %get3A_33 = arith.constant 2 : i32
    %get3A_34 = arith.index_cast %get3A_33 : i32 to index
    %get3A_35 = arith.constant 0 : index
    %get3A_36 = tpu.vector_load %arg8[%get3A_34, %get3A_35] {strides = array<i32>} : memref<12x16xf32, #tpu.memory_space<vmem>>, vector<1x16xf32>,
    %get3A_37 = vector.shape_cast %get3A_36 : vector<1x16xf32> to vector<16xf32>
    %get3A_38 = arith.constant 2 : i32
    %get3A_39 = arith.index_cast %get3A_38 : i32 to index
    %get3A_40 = arith.constant 0 : index
    %get3A_41 = tpu.vector_load %arg9[%get3A_39, %get3A_40] {strides = array<i32>} : memref<12x16xf32, #tpu.memory_space<vmem>>, vector<1x16xf32>,
    %get3A_42 = vector.shape_cast %get3A_41 : vector<1x16xf32> to vector<16xf32>
    %scan3A_43 = arith.constant 0 : i32
    %scan3A_44 = arith.constant 0 : i32
    %scan3A_45 = arith.constant 256 : i32
    %scan3A_46 = arith.addi %scan3A_44, %scan3A_45 : i32
    %scan3A_47 = arith.constant 1 : i32
    %scan3A_48 = scf.for %scan3A_223 = %scan3A_44 to %scan3A_46 step %scan3A_47 iter_args(%scan3A_224 = %scan3A_43) -> (i32)  : i32 {
      %mul3A_225 = arith.constant 16 : i32
      %mul3A_226 = arith.muli %scan3A_223, %mul3A_225 : i32
      %get3A_227 = arith.index_cast %mul3A_226 : i32 to index
      %get3A_228 = tpu.vector_load %arg11[%get3A_227] {strides = array<i32>} : memref<4096xf32, #tpu.memory_space<vmem>>, vector<16xf32>,
      %get3A_229 = vector.shape_cast %get3A_228 : vector<16xf32> to vector<16xf32>
      %get3A_230 = arith.index_cast %mul3A_226 : i32 to index
      %get3A_231 = tpu.vector_load %arg12[%get3A_230] {strides = array<i32>} : memref<4096xf32, #tpu.memory_space<vmem>>, vector<16xf32>,
      %get3A_232 = vector.shape_cast %get3A_231 : vector<16xf32> to vector<16xf32>
      %xor3A = arith.constant 512 : i32
      %xor3A_233 = arith.xori %mul3A_226, %xor3A : i32
      %get3A_234 = arith.index_cast %xor3A_233 : i32 to index
      %get3A_235 = tpu.vector_load %arg11[%get3A_234] {strides = array<i32>} : memref<4096xf32, #tpu.memory_space<vmem>>, vector<16xf32>,
      %get3A_236 = vector.shape_cast %get3A_235 : vector<16xf32> to vector<16xf32>
      %get3A_237 = arith.index_cast %xor3A_233 : i32 to index
      %get3A_238 = tpu.vector_load %arg12[%get3A_237] {strides = array<i32>} : memref<4096xf32, #tpu.memory_space<vmem>>, vector<16xf32>,
      %get3A_239 = vector.shape_cast %get3A_238 : vector<16xf32> to vector<16xf32>
      %mul3A_240 = arith.mulf %get3A_37, %get3A_229 : vector<16xf32>
      %mul3A_241 = arith.mulf %get3A_42, %get3A_239 : vector<16xf32>
      %add3A_242 = arith.addf %mul3A_240, %mul3A_241 : vector<16xf32>
      %swap3A = arith.index_cast %mul3A_226 : i32 to index
      %swap3A_243 = tpu.vector_load %arg13[%swap3A] {strides = array<i32>} : memref<4096xf32, #tpu.memory_space<vmem>>, vector<16xf32>,
      %swap3A_244 = vector.shape_cast %swap3A_243 : vector<16xf32> to vector<16xf32>
      %swap3A_245 = vector.shape_cast %add3A_242 : vector<16xf32> to vector<16xf32>
      tpu.vector_store %arg13[%swap3A], %swap3A_245 {strides = array<i32>} : memref<4096xf32, #tpu.memory_space<vmem>>, vector<16xf32>,
      %mul3A_246 = arith.mulf %get3A_37, %get3A_232 : vector<16xf32>
      %mul3A_247 = arith.mulf %get3A_42, %get3A_236 : vector<16xf32>
      %sub3A = arith.subf %mul3A_246, %mul3A_247 : vector<16xf32>
      %swap3A_248 = arith.index_cast %mul3A_226 : i32 to index
      %swap3A_249 = tpu.vector_load %arg14[%swap3A_248] {strides = array<i32>} : memref<4096xf32, #tpu.memory_space<vmem>>, vector<16xf32>,
      %swap3A_250 = vector.shape_cast %swap3A_249 : vector<16xf32> to vector<16xf32>
      %swap3A_251 = vector.shape_cast %sub3A : vector<16xf32> to vector<16xf32>
      tpu.vector_store %arg14[%swap3A_248], %swap3A_251 {strides = array<i32>} : memref<4096xf32, #tpu.memory_space<vmem>>, vector<16xf32>,
      %scan3A_252 = arith.constant 0 : i32
      scf.yield %scan3A_252 : i32
    }
    %scan3A_49 = arith.constant 256 : i32
    %get3A_50 = arith.constant 3 : i32
    %get3A_51 = arith.index_cast %get3A_50 : i32 to index
    %get3A_52 = arith.constant 0 : index
    %get3A_53 = tpu.vector_load %arg8[%get3A_51, %get3A_52] {strides = array<i32>} : memref<12x16xf32, #tpu.memory_space<vmem>>, vector<1x16xf32>,
    %get3A_54 = vector.shape_cast %get3A_53 : vector<1x16xf32> to vector<16xf32>
    %get3A_55 = arith.constant 3 : i32
    %get3A_56 = arith.index_cast %get3A_55 : i32 to index
    %get3A_57 = arith.constant 0 : index
    %get3A_58 = tpu.vector_load %arg9[%get3A_56, %get3A_57] {strides = array<i32>} : memref<12x16xf32, #tpu.memory_space<vmem>>, vector<1x16xf32>,
    %get3A_59 = vector.shape_cast %get3A_58 : vector<1x16xf32> to vector<16xf32>
    %scan3A_60 = arith.constant 0 : i32
    %scan3A_61 = arith.constant 0 : i32
    %scan3A_62 = arith.constant 256 : i32
    %scan3A_63 = arith.addi %scan3A_61, %scan3A_62 : i32
    %scan3A_64 = arith.constant 1 : i32
    %scan3A_65 = scf.for %scan3A_223 = %scan3A_61 to %scan3A_63 step %scan3A_64 iter_args(%scan3A_224 = %scan3A_60) -> (i32)  : i32 {
      %mul3A_225 = arith.constant 16 : i32
      %mul3A_226 = arith.muli %scan3A_223, %mul3A_225 : i32
      %get3A_227 = arith.index_cast %mul3A_226 : i32 to index
      %get3A_228 = tpu.vector_load %arg13[%get3A_227] {strides = array<i32>} : memref<4096xf32, #tpu.memory_space<vmem>>, vector<16xf32>,
      %get3A_229 = vector.shape_cast %get3A_228 : vector<16xf32> to vector<16xf32>
      %get3A_230 = arith.index_cast %mul3A_226 : i32 to index
      %get3A_231 = tpu.vector_load %arg14[%get3A_230] {strides = array<i32>} : memref<4096xf32, #tpu.memory_space<vmem>>, vector<16xf32>,
      %get3A_232 = vector.shape_cast %get3A_231 : vector<16xf32> to vector<16xf32>
      %xor3A = arith.constant 256 : i32
      %xor3A_233 = arith.xori %mul3A_226, %xor3A : i32
      %get3A_234 = arith.index_cast %xor3A_233 : i32 to index
      %get3A_235 = tpu.vector_load %arg13[%get3A_234] {strides = array<i32>} : memref<4096xf32, #tpu.memory_space<vmem>>, vector<16xf32>,
      %get3A_236 = vector.shape_cast %get3A_235 : vector<16xf32> to vector<16xf32>
      %get3A_237 = arith.index_cast %xor3A_233 : i32 to index
      %get3A_238 = tpu.vector_load %arg14[%get3A_237] {strides = array<i32>} : memref<4096xf32, #tpu.memory_space<vmem>>, vector<16xf32>,
      %get3A_239 = vector.shape_cast %get3A_238 : vector<16xf32> to vector<16xf32>
      %mul3A_240 = arith.mulf %get3A_54, %get3A_229 : vector<16xf32>
      %mul3A_241 = arith.mulf %get3A_59, %get3A_239 : vector<16xf32>
      %add3A_242 = arith.addf %mul3A_240, %mul3A_241 : vector<16xf32>
      %swap3A = arith.index_cast %mul3A_226 : i32 to index
      %swap3A_243 = tpu.vector_load %arg11[%swap3A] {strides = array<i32>} : memref<4096xf32, #tpu.memory_space<vmem>>, vector<16xf32>,
      %swap3A_244 = vector.shape_cast %swap3A_243 : vector<16xf32> to vector<16xf32>
      %swap3A_245 = vector.shape_cast %add3A_242 : vector<16xf32> to vector<16xf32>
      tpu.vector_store %arg11[%swap3A], %swap3A_245 {strides = array<i32>} : memref<4096xf32, #tpu.memory_space<vmem>>, vector<16xf32>,
      %mul3A_246 = arith.mulf %get3A_54, %get3A_232 : vector<16xf32>
      %mul3A_247 = arith.mulf %get3A_59, %get3A_236 : vector<16xf32>
      %sub3A = arith.subf %mul3A_246, %mul3A_247 : vector<16xf32>
      %swap3A_248 = arith.index_cast %mul3A_226 : i32 to index
      %swap3A_249 = tpu.vector_load %arg12[%swap3A_248] {strides = array<i32>} : memref<4096xf32, #tpu.memory_space<vmem>>, vector<16xf32>,
      %swap3A_250 = vector.shape_cast %swap3A_249 : vector<16xf32> to vector<16xf32>
      %swap3A_251 = vector.shape_cast %sub3A : vector<16xf32> to vector<16xf32>
      tpu.vector_store %arg12[%swap3A_248], %swap3A_251 {strides = array<i32>} : memref<4096xf32, #tpu.memory_space<vmem>>, vector<16xf32>,
      %scan3A_252 = arith.constant 0 : i32
      scf.yield %scan3A_252 : i32
    }
    %scan3A_66 = arith.constant 256 : i32
    %get3A_67 = arith.constant 4 : i32
    %get3A_68 = arith.index_cast %get3A_67 : i32 to index
    %get3A_69 = arith.constant 0 : index
    %get3A_70 = tpu.vector_load %arg8[%get3A_68, %get3A_69] {strides = array<i32>} : memref<12x16xf32, #tpu.memory_space<vmem>>, vector<1x16xf32>,
    %get3A_71 = vector.shape_cast %get3A_70 : vector<1x16xf32> to vector<16xf32>
    %get3A_72 = arith.constant 4 : i32
    %get3A_73 = arith.index_cast %get3A_72 : i32 to index
    %get3A_74 = arith.constant 0 : index
    %get3A_75 = tpu.vector_load %arg9[%get3A_73, %get3A_74] {strides = array<i32>} : memref<12x16xf32, #tpu.memory_space<vmem>>, vector<1x16xf32>,
    %get3A_76 = vector.shape_cast %get3A_75 : vector<1x16xf32> to vector<16xf32>
    %scan3A_77 = arith.constant 0 : i32
    %scan3A_78 = arith.constant 0 : i32
    %scan3A_79 = arith.constant 256 : i32
    %scan3A_80 = arith.addi %scan3A_78, %scan3A_79 : i32
    %scan3A_81 = arith.constant 1 : i32
    %scan3A_82 = scf.for %scan3A_223 = %scan3A_78 to %scan3A_80 step %scan3A_81 iter_args(%scan3A_224 = %scan3A_77) -> (i32)  : i32 {
      %mul3A_225 = arith.constant 16 : i32
      %mul3A_226 = arith.muli %scan3A_223, %mul3A_225 : i32
      %get3A_227 = arith.index_cast %mul3A_226 : i32 to index
      %get3A_228 = tpu.vector_load %arg11[%get3A_227] {strides = array<i32>} : memref<4096xf32, #tpu.memory_space<vmem>>, vector<16xf32>,
      %get3A_229 = vector.shape_cast %get3A_228 : vector<16xf32> to vector<16xf32>
      %get3A_230 = arith.index_cast %mul3A_226 : i32 to index
      %get3A_231 = tpu.vector_load %arg12[%get3A_230] {strides = array<i32>} : memref<4096xf32, #tpu.memory_space<vmem>>, vector<16xf32>,
      %get3A_232 = vector.shape_cast %get3A_231 : vector<16xf32> to vector<16xf32>
      %xor3A = arith.constant 128 : i32
      %xor3A_233 = arith.xori %mul3A_226, %xor3A : i32
      %get3A_234 = arith.index_cast %xor3A_233 : i32 to index
      %get3A_235 = tpu.vector_load %arg11[%get3A_234] {strides = array<i32>} : memref<4096xf32, #tpu.memory_space<vmem>>, vector<16xf32>,
      %get3A_236 = vector.shape_cast %get3A_235 : vector<16xf32> to vector<16xf32>
      %get3A_237 = arith.index_cast %xor3A_233 : i32 to index
      %get3A_238 = tpu.vector_load %arg12[%get3A_237] {strides = array<i32>} : memref<4096xf32, #tpu.memory_space<vmem>>, vector<16xf32>,
      %get3A_239 = vector.shape_cast %get3A_238 : vector<16xf32> to vector<16xf32>
      %mul3A_240 = arith.mulf %get3A_71, %get3A_229 : vector<16xf32>
      %mul3A_241 = arith.mulf %get3A_76, %get3A_239 : vector<16xf32>
      %add3A_242 = arith.addf %mul3A_240, %mul3A_241 : vector<16xf32>
      %swap3A = arith.index_cast %mul3A_226 : i32 to index
      %swap3A_243 = tpu.vector_load %arg13[%swap3A] {strides = array<i32>} : memref<4096xf32, #tpu.memory_space<vmem>>, vector<16xf32>,
      %swap3A_244 = vector.shape_cast %swap3A_243 : vector<16xf32> to vector<16xf32>
      %swap3A_245 = vector.shape_cast %add3A_242 : vector<16xf32> to vector<16xf32>
      tpu.vector_store %arg13[%swap3A], %swap3A_245 {strides = array<i32>} : memref<4096xf32, #tpu.memory_space<vmem>>, vector<16xf32>,
      %mul3A_246 = arith.mulf %get3A_71, %get3A_232 : vector<16xf32>
      %mul3A_247 = arith.mulf %get3A_76, %get3A_236 : vector<16xf32>
      %sub3A = arith.subf %mul3A_246, %mul3A_247 : vector<16xf32>
      %swap3A_248 = arith.index_cast %mul3A_226 : i32 to index
      %swap3A_249 = tpu.vector_load %arg14[%swap3A_248] {strides = array<i32>} : memref<4096xf32, #tpu.memory_space<vmem>>, vector<16xf32>,
      %swap3A_250 = vector.shape_cast %swap3A_249 : vector<16xf32> to vector<16xf32>
      %swap3A_251 = vector.shape_cast %sub3A : vector<16xf32> to vector<16xf32>
      tpu.vector_store %arg14[%swap3A_248], %swap3A_251 {strides = array<i32>} : memref<4096xf32, #tpu.memory_space<vmem>>, vector<16xf32>,
      %scan3A_252 = arith.constant 0 : i32
      scf.yield %scan3A_252 : i32
    }
    %scan3A_83 = arith.constant 256 : i32
    %get3A_84 = arith.constant 5 : i32
    %get3A_85 = arith.index_cast %get3A_84 : i32 to index
    %get3A_86 = arith.constant 0 : index
    %get3A_87 = tpu.vector_load %arg8[%get3A_85, %get3A_86] {strides = array<i32>} : memref<12x16xf32, #tpu.memory_space<vmem>>, vector<1x16xf32>,
    %get3A_88 = vector.shape_cast %get3A_87 : vector<1x16xf32> to vector<16xf32>
    %get3A_89 = arith.constant 5 : i32
    %get3A_90 = arith.index_cast %get3A_89 : i32 to index
    %get3A_91 = arith.constant 0 : index
    %get3A_92 = tpu.vector_load %arg9[%get3A_90, %get3A_91] {strides = array<i32>} : memref<12x16xf32, #tpu.memory_space<vmem>>, vector<1x16xf32>,
    %get3A_93 = vector.shape_cast %get3A_92 : vector<1x16xf32> to vector<16xf32>
    %scan3A_94 = arith.constant 0 : i32
    %scan3A_95 = arith.constant 0 : i32
    %scan3A_96 = arith.constant 256 : i32
    %scan3A_97 = arith.addi %scan3A_95, %scan3A_96 : i32
    %scan3A_98 = arith.constant 1 : i32
    %scan3A_99 = scf.for %scan3A_223 = %scan3A_95 to %scan3A_97 step %scan3A_98 iter_args(%scan3A_224 = %scan3A_94) -> (i32)  : i32 {
      %mul3A_225 = arith.constant 16 : i32
      %mul3A_226 = arith.muli %scan3A_223, %mul3A_225 : i32
      %get3A_227 = arith.index_cast %mul3A_226 : i32 to index
      %get3A_228 = tpu.vector_load %arg13[%get3A_227] {strides = array<i32>} : memref<4096xf32, #tpu.memory_space<vmem>>, vector<16xf32>,
      %get3A_229 = vector.shape_cast %get3A_228 : vector<16xf32> to vector<16xf32>
      %get3A_230 = arith.index_cast %mul3A_226 : i32 to index
      %get3A_231 = tpu.vector_load %arg14[%get3A_230] {strides = array<i32>} : memref<4096xf32, #tpu.memory_space<vmem>>, vector<16xf32>,
      %get3A_232 = vector.shape_cast %get3A_231 : vector<16xf32> to vector<16xf32>
      %xor3A = arith.constant 64 : i32
      %xor3A_233 = arith.xori %mul3A_226, %xor3A : i32
      %get3A_234 = arith.index_cast %xor3A_233 : i32 to index
      %get3A_235 = tpu.vector_load %arg13[%get3A_234] {strides = array<i32>} : memref<4096xf32, #tpu.memory_space<vmem>>, vector<16xf32>,
      %get3A_236 = vector.shape_cast %get3A_235 : vector<16xf32> to vector<16xf32>
      %get3A_237 = arith.index_cast %xor3A_233 : i32 to index
      %get3A_238 = tpu.vector_load %arg14[%get3A_237] {strides = array<i32>} : memref<4096xf32, #tpu.memory_space<vmem>>, vector<16xf32>,
      %get3A_239 = vector.shape_cast %get3A_238 : vector<16xf32> to vector<16xf32>
      %mul3A_240 = arith.mulf %get3A_88, %get3A_229 : vector<16xf32>
      %mul3A_241 = arith.mulf %get3A_93, %get3A_239 : vector<16xf32>
      %add3A_242 = arith.addf %mul3A_240, %mul3A_241 : vector<16xf32>
      %swap3A = arith.index_cast %mul3A_226 : i32 to index
      %swap3A_243 = tpu.vector_load %arg11[%swap3A] {strides = array<i32>} : memref<4096xf32, #tpu.memory_space<vmem>>, vector<16xf32>,
      %swap3A_244 = vector.shape_cast %swap3A_243 : vector<16xf32> to vector<16xf32>
      %swap3A_245 = vector.shape_cast %add3A_242 : vector<16xf32> to vector<16xf32>
      tpu.vector_store %arg11[%swap3A], %swap3A_245 {strides = array<i32>} : memref<4096xf32, #tpu.memory_space<vmem>>, vector<16xf32>,
      %mul3A_246 = arith.mulf %get3A_88, %get3A_232 : vector<16xf32>
      %mul3A_247 = arith.mulf %get3A_93, %get3A_236 : vector<16xf32>
      %sub3A = arith.subf %mul3A_246, %mul3A_247 : vector<16xf32>
      %swap3A_248 = arith.index_cast %mul3A_226 : i32 to index
      %swap3A_249 = tpu.vector_load %arg12[%swap3A_248] {strides = array<i32>} : memref<4096xf32, #tpu.memory_space<vmem>>, vector<16xf32>,
      %swap3A_250 = vector.shape_cast %swap3A_249 : vector<16xf32> to vector<16xf32>
      %swap3A_251 = vector.shape_cast %sub3A : vector<16xf32> to vector<16xf32>
      tpu.vector_store %arg12[%swap3A_248], %swap3A_251 {strides = array<i32>} : memref<4096xf32, #tpu.memory_space<vmem>>, vector<16xf32>,
      %scan3A_252 = arith.constant 0 : i32
      scf.yield %scan3A_252 : i32
    }
    %scan3A_100 = arith.constant 256 : i32
    %get3A_101 = arith.constant 6 : i32
    %get3A_102 = arith.index_cast %get3A_101 : i32 to index
    %get3A_103 = arith.constant 0 : index
    %get3A_104 = tpu.vector_load %arg8[%get3A_102, %get3A_103] {strides = array<i32>} : memref<12x16xf32, #tpu.memory_space<vmem>>, vector<1x16xf32>,
    %get3A_105 = vector.shape_cast %get3A_104 : vector<1x16xf32> to vector<16xf32>
    %get3A_106 = arith.constant 6 : i32
    %get3A_107 = arith.index_cast %get3A_106 : i32 to index
    %get3A_108 = arith.constant 0 : index
    %get3A_109 = tpu.vector_load %arg9[%get3A_107, %get3A_108] {strides = array<i32>} : memref<12x16xf32, #tpu.memory_space<vmem>>, vector<1x16xf32>,
    %get3A_110 = vector.shape_cast %get3A_109 : vector<1x16xf32> to vector<16xf32>
    %scan3A_111 = arith.constant 0 : i32
    %scan3A_112 = arith.constant 0 : i32
    %scan3A_113 = arith.constant 256 : i32
    %scan3A_114 = arith.addi %scan3A_112, %scan3A_113 : i32
    %scan3A_115 = arith.constant 1 : i32
    %scan3A_116 = scf.for %scan3A_223 = %scan3A_112 to %scan3A_114 step %scan3A_115 iter_args(%scan3A_224 = %scan3A_111) -> (i32)  : i32 {
      %mul3A_225 = arith.constant 16 : i32
      %mul3A_226 = arith.muli %scan3A_223, %mul3A_225 : i32
      %get3A_227 = arith.index_cast %mul3A_226 : i32 to index
      %get3A_228 = tpu.vector_load %arg11[%get3A_227] {strides = array<i32>} : memref<4096xf32, #tpu.memory_space<vmem>>, vector<16xf32>,
      %get3A_229 = vector.shape_cast %get3A_228 : vector<16xf32> to vector<16xf32>
      %get3A_230 = arith.index_cast %mul3A_226 : i32 to index
      %get3A_231 = tpu.vector_load %arg12[%get3A_230] {strides = array<i32>} : memref<4096xf32, #tpu.memory_space<vmem>>, vector<16xf32>,
      %get3A_232 = vector.shape_cast %get3A_231 : vector<16xf32> to vector<16xf32>
      %xor3A = arith.constant 32 : i32
      %xor3A_233 = arith.xori %mul3A_226, %xor3A : i32
      %get3A_234 = arith.index_cast %xor3A_233 : i32 to index
      %get3A_235 = tpu.vector_load %arg11[%get3A_234] {strides = array<i32>} : memref<4096xf32, #tpu.memory_space<vmem>>, vector<16xf32>,
      %get3A_236 = vector.shape_cast %get3A_235 : vector<16xf32> to vector<16xf32>
      %get3A_237 = arith.index_cast %xor3A_233 : i32 to index
      %get3A_238 = tpu.vector_load %arg12[%get3A_237] {strides = array<i32>} : memref<4096xf32, #tpu.memory_space<vmem>>, vector<16xf32>,
      %get3A_239 = vector.shape_cast %get3A_238 : vector<16xf32> to vector<16xf32>
      %mul3A_240 = arith.mulf %get3A_105, %get3A_229 : vector<16xf32>
      %mul3A_241 = arith.mulf %get3A_110, %get3A_239 : vector<16xf32>
      %add3A_242 = arith.addf %mul3A_240, %mul3A_241 : vector<16xf32>
      %swap3A = arith.index_cast %mul3A_226 : i32 to index
      %swap3A_243 = tpu.vector_load %arg13[%swap3A] {strides = array<i32>} : memref<4096xf32, #tpu.memory_space<vmem>>, vector<16xf32>,
      %swap3A_244 = vector.shape_cast %swap3A_243 : vector<16xf32> to vector<16xf32>
      %swap3A_245 = vector.shape_cast %add3A_242 : vector<16xf32> to vector<16xf32>
      tpu.vector_store %arg13[%swap3A], %swap3A_245 {strides = array<i32>} : memref<4096xf32, #tpu.memory_space<vmem>>, vector<16xf32>,
      %mul3A_246 = arith.mulf %get3A_105, %get3A_232 : vector<16xf32>
      %mul3A_247 = arith.mulf %get3A_110, %get3A_236 : vector<16xf32>
      %sub3A = arith.subf %mul3A_246, %mul3A_247 : vector<16xf32>
      %swap3A_248 = arith.index_cast %mul3A_226 : i32 to index
      %swap3A_249 = tpu.vector_load %arg14[%swap3A_248] {strides = array<i32>} : memref<4096xf32, #tpu.memory_space<vmem>>, vector<16xf32>,
      %swap3A_250 = vector.shape_cast %swap3A_249 : vector<16xf32> to vector<16xf32>
      %swap3A_251 = vector.shape_cast %sub3A : vector<16xf32> to vector<16xf32>
      tpu.vector_store %arg14[%swap3A_248], %swap3A_251 {strides = array<i32>} : memref<4096xf32, #tpu.memory_space<vmem>>, vector<16xf32>,
      %scan3A_252 = arith.constant 0 : i32
      scf.yield %scan3A_252 : i32
    }
    %scan3A_117 = arith.constant 256 : i32
    %get3A_118 = arith.constant 7 : i32
    %get3A_119 = arith.index_cast %get3A_118 : i32 to index
    %get3A_120 = arith.constant 0 : index
    %get3A_121 = tpu.vector_load %arg8[%get3A_119, %get3A_120] {strides = array<i32>} : memref<12x16xf32, #tpu.memory_space<vmem>>, vector<1x16xf32>,
    %get3A_122 = vector.shape_cast %get3A_121 : vector<1x16xf32> to vector<16xf32>
    %get3A_123 = arith.constant 7 : i32
    %get3A_124 = arith.index_cast %get3A_123 : i32 to index
    %get3A_125 = arith.constant 0 : index
    %get3A_126 = tpu.vector_load %arg9[%get3A_124, %get3A_125] {strides = array<i32>} : memref<12x16xf32, #tpu.memory_space<vmem>>, vector<1x16xf32>,
    %get3A_127 = vector.shape_cast %get3A_126 : vector<1x16xf32> to vector<16xf32>
    %scan3A_128 = arith.constant 0 : i32
    %scan3A_129 = arith.constant 0 : i32
    %scan3A_130 = arith.constant 256 : i32
    %scan3A_131 = arith.addi %scan3A_129, %scan3A_130 : i32
    %scan3A_132 = arith.constant 1 : i32
    %scan3A_133 = scf.for %scan3A_223 = %scan3A_129 to %scan3A_131 step %scan3A_132 iter_args(%scan3A_224 = %scan3A_128) -> (i32)  : i32 {
      %mul3A_225 = arith.constant 16 : i32
      %mul3A_226 = arith.muli %scan3A_223, %mul3A_225 : i32
      %get3A_227 = arith.index_cast %mul3A_226 : i32 to index
      %get3A_228 = tpu.vector_load %arg13[%get3A_227] {strides = array<i32>} : memref<4096xf32, #tpu.memory_space<vmem>>, vector<16xf32>,
      %get3A_229 = vector.shape_cast %get3A_228 : vector<16xf32> to vector<16xf32>
      %get3A_230 = arith.index_cast %mul3A_226 : i32 to index
      %get3A_231 = tpu.vector_load %arg14[%get3A_230] {strides = array<i32>} : memref<4096xf32, #tpu.memory_space<vmem>>, vector<16xf32>,
      %get3A_232 = vector.shape_cast %get3A_231 : vector<16xf32> to vector<16xf32>
      %xor3A = arith.constant 16 : i32
      %xor3A_233 = arith.xori %mul3A_226, %xor3A : i32
      %get3A_234 = arith.index_cast %xor3A_233 : i32 to index
      %get3A_235 = tpu.vector_load %arg13[%get3A_234] {strides = array<i32>} : memref<4096xf32, #tpu.memory_space<vmem>>, vector<16xf32>,
      %get3A_236 = vector.shape_cast %get3A_235 : vector<16xf32> to vector<16xf32>
      %get3A_237 = arith.index_cast %xor3A_233 : i32 to index
      %get3A_238 = tpu.vector_load %arg14[%get3A_237] {strides = array<i32>} : memref<4096xf32, #tpu.memory_space<vmem>>, vector<16xf32>,
      %get3A_239 = vector.shape_cast %get3A_238 : vector<16xf32> to vector<16xf32>
      %mul3A_240 = arith.mulf %get3A_122, %get3A_229 : vector<16xf32>
      %mul3A_241 = arith.mulf %get3A_127, %get3A_239 : vector<16xf32>
      %add3A_242 = arith.addf %mul3A_240, %mul3A_241 : vector<16xf32>
      %swap3A = arith.index_cast %mul3A_226 : i32 to index
      %swap3A_243 = tpu.vector_load %arg11[%swap3A] {strides = array<i32>} : memref<4096xf32, #tpu.memory_space<vmem>>, vector<16xf32>,
      %swap3A_244 = vector.shape_cast %swap3A_243 : vector<16xf32> to vector<16xf32>
      %swap3A_245 = vector.shape_cast %add3A_242 : vector<16xf32> to vector<16xf32>
      tpu.vector_store %arg11[%swap3A], %swap3A_245 {strides = array<i32>} : memref<4096xf32, #tpu.memory_space<vmem>>, vector<16xf32>,
      %mul3A_246 = arith.mulf %get3A_122, %get3A_232 : vector<16xf32>
      %mul3A_247 = arith.mulf %get3A_127, %get3A_236 : vector<16xf32>
      %sub3A = arith.subf %mul3A_246, %mul3A_247 : vector<16xf32>
      %swap3A_248 = arith.index_cast %mul3A_226 : i32 to index
      %swap3A_249 = tpu.vector_load %arg12[%swap3A_248] {strides = array<i32>} : memref<4096xf32, #tpu.memory_space<vmem>>, vector<16xf32>,
      %swap3A_250 = vector.shape_cast %swap3A_249 : vector<16xf32> to vector<16xf32>
      %swap3A_251 = vector.shape_cast %sub3A : vector<16xf32> to vector<16xf32>
      tpu.vector_store %arg12[%swap3A_248], %swap3A_251 {strides = array<i32>} : memref<4096xf32, #tpu.memory_space<vmem>>, vector<16xf32>,
      %scan3A_252 = arith.constant 0 : i32
      scf.yield %scan3A_252 : i32
    }
    %scan3A_134 = arith.constant 256 : i32
    %get3A_135 = arith.constant 8 : i32
    %get3A_136 = arith.index_cast %get3A_135 : i32 to index
    %get3A_137 = arith.constant 0 : index
    %get3A_138 = tpu.vector_load %arg8[%get3A_136, %get3A_137] {strides = array<i32>} : memref<12x16xf32, #tpu.memory_space<vmem>>, vector<1x16xf32>,
    %get3A_139 = vector.shape_cast %get3A_138 : vector<1x16xf32> to vector<16xf32>
    %get3A_140 = arith.constant 8 : i32
    %get3A_141 = arith.index_cast %get3A_140 : i32 to index
    %get3A_142 = arith.constant 0 : index
    %get3A_143 = tpu.vector_load %arg9[%get3A_141, %get3A_142] {strides = array<i32>} : memref<12x16xf32, #tpu.memory_space<vmem>>, vector<1x16xf32>,
    %get3A_144 = vector.shape_cast %get3A_143 : vector<1x16xf32> to vector<16xf32>
    %get3A_145 = arith.constant 0 : i32
    %get3A_146 = arith.index_cast %get3A_145 : i32 to index
    %get3A_147 = arith.constant 0 : index
    %get3A_148 = tpu.vector_load %arg10[%get3A_146, %get3A_147] {strides = array<i32>} : memref<4x16xi32, #tpu.memory_space<vmem>>, vector<1x16xi32>,
    %get3A_149 = vector.shape_cast %get3A_148 : vector<1x16xi32> to vector<16xi32>
    %scan3A_150 = arith.constant 0 : i32
    %scan3A_151 = arith.constant 0 : i32
    %scan3A_152 = arith.constant 256 : i32
    %scan3A_153 = arith.addi %scan3A_151, %scan3A_152 : i32
    %scan3A_154 = arith.constant 1 : i32
    %scan3A_155 = scf.for %scan3A_223 = %scan3A_151 to %scan3A_153 step %scan3A_154 iter_args(%scan3A_224 = %scan3A_150) -> (i32)  : i32 {
      %mul3A_225 = arith.constant 16 : i32
      %mul3A_226 = arith.muli %scan3A_223, %mul3A_225 : i32
      %get3A_227 = arith.index_cast %mul3A_226 : i32 to index
      %get3A_228 = tpu.vector_load %arg11[%get3A_227] {strides = array<i32>} : memref<4096xf32, #tpu.memory_space<vmem>>, vector<16xf32>,
      %get3A_229 = vector.shape_cast %get3A_228 : vector<16xf32> to vector<16xf32>
      %get3A_230 = arith.index_cast %mul3A_226 : i32 to index
      %get3A_231 = tpu.vector_load %arg12[%get3A_230] {strides = array<i32>} : memref<4096xf32, #tpu.memory_space<vmem>>, vector<16xf32>,
      %get3A_232 = vector.shape_cast %get3A_231 : vector<16xf32> to vector<16xf32>
      %lt3A = arith.constant 0 : i32
      %lt3A_233 = vector.broadcast %lt3A : i32 to vector<16xi32>
      %lt3A_234 = arith.cmpi slt, %get3A_149, %lt3A_233 : vector<16xi32>
      %add3A_235 = arith.constant 16 : i32
      %add3A_236 = vector.broadcast %add3A_235 : i32 to vector<16xi32>
      %add3A_237 = arith.addi %get3A_149, %add3A_236 : vector<16xi32>
      %select_n3A = arith.select %lt3A_234, %add3A_237, %get3A_149 : vector<16xi1>, vector<16xi32>
      %broadcast_in_dim3A = vector.shape_cast %select_n3A : vector<16xi32> to vector<16x1xi32>
      %gather3A = vector.shape_cast %broadcast_in_dim3A : vector<16x1xi32> to vector<16xi32>
      %gather3A_238 = tpu.dynamic_gather %get3A_229[%gather3A] in [0] : vector<16xf32>, vector<16xi32> -> vector<16xf32>
      %lt3A_239 = arith.constant 0 : i32
      %lt3A_240 = vector.broadcast %lt3A_239 : i32 to vector<16xi32>
      %lt3A_241 = arith.cmpi slt, %get3A_149, %lt3A_240 : vector<16xi32>
      %add3A_242 = arith.constant 16 : i32
      %add3A_243 = vector.broadcast %add3A_242 : i32 to vector<16xi32>
      %add3A_244 = arith.addi %get3A_149, %add3A_243 : vector<16xi32>
      %select_n3A_245 = arith.select %lt3A_241, %add3A_244, %get3A_149 : vector<16xi1>, vector<16xi32>
      %broadcast_in_dim3A_246 = vector.shape_cast %select_n3A_245 : vector<16xi32> to vector<16x1xi32>
      %gather3A_247 = vector.shape_cast %broadcast_in_dim3A_246 : vector<16x1xi32> to vector<16xi32>
      %gather3A_248 = tpu.dynamic_gather %get3A_232[%gather3A_247] in [0] : vector<16xf32>, vector<16xi32> -> vector<16xf32>
      %mul3A_249 = arith.mulf %get3A_139, %get3A_229 : vector<16xf32>
      %mul3A_250 = arith.mulf %get3A_144, %gather3A_248 : vector<16xf32>
      %add3A_251 = arith.addf %mul3A_249, %mul3A_250 : vector<16xf32>
      %swap3A = arith.index_cast %mul3A_226 : i32 to index
      %swap3A_252 = tpu.vector_load %arg13[%swap3A] {strides = array<i32>} : memref<4096xf32, #tpu.memory_space<vmem>>, vector<16xf32>,
      %swap3A_253 = vector.shape_cast %swap3A_252 : vector<16xf32> to vector<16xf32>
      %swap3A_254 = vector.shape_cast %add3A_251 : vector<16xf32> to vector<16xf32>
      tpu.vector_store %arg13[%swap3A], %swap3A_254 {strides = array<i32>} : memref<4096xf32, #tpu.memory_space<vmem>>, vector<16xf32>,
      %mul3A_255 = arith.mulf %get3A_139, %get3A_232 : vector<16xf32>
      %mul3A_256 = arith.mulf %get3A_144, %gather3A_238 : vector<16xf32>
      %sub3A = arith.subf %mul3A_255, %mul3A_256 : vector<16xf32>
      %swap3A_257 = arith.index_cast %mul3A_226 : i32 to index
      %swap3A_258 = tpu.vector_load %arg14[%swap3A_257] {strides = array<i32>} : memref<4096xf32, #tpu.memory_space<vmem>>, vector<16xf32>,
      %swap3A_259 = vector.shape_cast %swap3A_258 : vector<16xf32> to vector<16xf32>
      %swap3A_260 = vector.shape_cast %sub3A : vector<16xf32> to vector<16xf32>
      tpu.vector_store %arg14[%swap3A_257], %swap3A_260 {strides = array<i32>} : memref<4096xf32, #tpu.memory_space<vmem>>, vector<16xf32>,
      %scan3A_261 = arith.constant 0 : i32
      scf.yield %scan3A_261 : i32
    }
    %scan3A_156 = arith.constant 256 : i32
    %get3A_157 = arith.constant 9 : i32
    %get3A_158 = arith.index_cast %get3A_157 : i32 to index
    %get3A_159 = arith.constant 0 : index
    %get3A_160 = tpu.vector_load %arg8[%get3A_158, %get3A_159] {strides = array<i32>} : memref<12x16xf32, #tpu.memory_space<vmem>>, vector<1x16xf32>,
    %get3A_161 = vector.shape_cast %get3A_160 : vector<1x16xf32> to vector<16xf32>
    %get3A_162 = arith.constant 9 : i32
    %get3A_163 = arith.index_cast %get3A_162 : i32 to index
    %get3A_164 = arith.constant 0 : index
    %get3A_165 = tpu.vector_load %arg9[%get3A_163, %get3A_164] {strides = array<i32>} : memref<12x16xf32, #tpu.memory_space<vmem>>, vector<1x16xf32>,
    %get3A_166 = vector.shape_cast %get3A_165 : vector<1x16xf32> to vector<16xf32>
    %get3A_167 = arith.constant 1 : i32
    %get3A_168 = arith.index_cast %get3A_167 : i32 to index
    %get3A_169 = arith.constant 0 : index
    %get3A_170 = tpu.vector_load %arg10[%get3A_168, %get3A_169] {strides = array<i32>} : memref<4x16xi32, #tpu.memory_space<vmem>>, vector<1x16xi32>,
    %get3A_171 = vector.shape_cast %get3A_170 : vector<1x16xi32> to vector<16xi32>
    %scan3A_172 = arith.constant 0 : i32
    %scan3A_173 = arith.constant 0 : i32
    %scan3A_174 = arith.constant 256 : i32
    %scan3A_175 = arith.addi %scan3A_173, %scan3A_174 : i32
    %scan3A_176 = arith.constant 1 : i32
    %scan3A_177 = scf.for %scan3A_223 = %scan3A_173 to %scan3A_175 step %scan3A_176 iter_args(%scan3A_224 = %scan3A_172) -> (i32)  : i32 {
      %mul3A_225 = arith.constant 16 : i32
      %mul3A_226 = arith.muli %scan3A_223, %mul3A_225 : i32
      %get3A_227 = arith.index_cast %mul3A_226 : i32 to index
      %get3A_228 = tpu.vector_load %arg13[%get3A_227] {strides = array<i32>} : memref<4096xf32, #tpu.memory_space<vmem>>, vector<16xf32>,
      %get3A_229 = vector.shape_cast %get3A_228 : vector<16xf32> to vector<16xf32>
      %get3A_230 = arith.index_cast %mul3A_226 : i32 to index
      %get3A_231 = tpu.vector_load %arg14[%get3A_230] {strides = array<i32>} : memref<4096xf32, #tpu.memory_space<vmem>>, vector<16xf32>,
      %get3A_232 = vector.shape_cast %get3A_231 : vector<16xf32> to vector<16xf32>
      %lt3A = arith.constant 0 : i32
      %lt3A_233 = vector.broadcast %lt3A : i32 to vector<16xi32>
      %lt3A_234 = arith.cmpi slt, %get3A_171, %lt3A_233 : vector<16xi32>
      %add3A_235 = arith.constant 16 : i32
      %add3A_236 = vector.broadcast %add3A_235 : i32 to vector<16xi32>
      %add3A_237 = arith.addi %get3A_171, %add3A_236 : vector<16xi32>
      %select_n3A = arith.select %lt3A_234, %add3A_237, %get3A_171 : vector<16xi1>, vector<16xi32>
      %broadcast_in_dim3A = vector.shape_cast %select_n3A : vector<16xi32> to vector<16x1xi32>
      %gather3A = vector.shape_cast %broadcast_in_dim3A : vector<16x1xi32> to vector<16xi32>
      %gather3A_238 = tpu.dynamic_gather %get3A_229[%gather3A] in [0] : vector<16xf32>, vector<16xi32> -> vector<16xf32>
      %lt3A_239 = arith.constant 0 : i32
      %lt3A_240 = vector.broadcast %lt3A_239 : i32 to vector<16xi32>
      %lt3A_241 = arith.cmpi slt, %get3A_171, %lt3A_240 : vector<16xi32>
      %add3A_242 = arith.constant 16 : i32
      %add3A_243 = vector.broadcast %add3A_242 : i32 to vector<16xi32>
      %add3A_244 = arith.addi %get3A_171, %add3A_243 : vector<16xi32>
      %select_n3A_245 = arith.select %lt3A_241, %add3A_244, %get3A_171 : vector<16xi1>, vector<16xi32>
      %broadcast_in_dim3A_246 = vector.shape_cast %select_n3A_245 : vector<16xi32> to vector<16x1xi32>
      %gather3A_247 = vector.shape_cast %broadcast_in_dim3A_246 : vector<16x1xi32> to vector<16xi32>
      %gather3A_248 = tpu.dynamic_gather %get3A_232[%gather3A_247] in [0] : vector<16xf32>, vector<16xi32> -> vector<16xf32>
      %mul3A_249 = arith.mulf %get3A_161, %get3A_229 : vector<16xf32>
      %mul3A_250 = arith.mulf %get3A_166, %gather3A_248 : vector<16xf32>
      %add3A_251 = arith.addf %mul3A_249, %mul3A_250 : vector<16xf32>
      %swap3A = arith.index_cast %mul3A_226 : i32 to index
      %swap3A_252 = tpu.vector_load %arg11[%swap3A] {strides = array<i32>} : memref<4096xf32, #tpu.memory_space<vmem>>, vector<16xf32>,
      %swap3A_253 = vector.shape_cast %swap3A_252 : vector<16xf32> to vector<16xf32>
      %swap3A_254 = vector.shape_cast %add3A_251 : vector<16xf32> to vector<16xf32>
      tpu.vector_store %arg11[%swap3A], %swap3A_254 {strides = array<i32>} : memref<4096xf32, #tpu.memory_space<vmem>>, vector<16xf32>,
      %mul3A_255 = arith.mulf %get3A_161, %get3A_232 : vector<16xf32>
      %mul3A_256 = arith.mulf %get3A_166, %gather3A_238 : vector<16xf32>
      %sub3A = arith.subf %mul3A_255, %mul3A_256 : vector<16xf32>
      %swap3A_257 = arith.index_cast %mul3A_226 : i32 to index
      %swap3A_258 = tpu.vector_load %arg12[%swap3A_257] {strides = array<i32>} : memref<4096xf32, #tpu.memory_space<vmem>>, vector<16xf32>,
      %swap3A_259 = vector.shape_cast %swap3A_258 : vector<16xf32> to vector<16xf32>
      %swap3A_260 = vector.shape_cast %sub3A : vector<16xf32> to vector<16xf32>
      tpu.vector_store %arg12[%swap3A_257], %swap3A_260 {strides = array<i32>} : memref<4096xf32, #tpu.memory_space<vmem>>, vector<16xf32>,
      %scan3A_261 = arith.constant 0 : i32
      scf.yield %scan3A_261 : i32
    }
    %scan3A_178 = arith.constant 256 : i32
    %get3A_179 = arith.constant 10 : i32
    %get3A_180 = arith.index_cast %get3A_179 : i32 to index
    %get3A_181 = arith.constant 0 : index
    %get3A_182 = tpu.vector_load %arg8[%get3A_180, %get3A_181] {strides = array<i32>} : memref<12x16xf32, #tpu.memory_space<vmem>>, vector<1x16xf32>,
    %get3A_183 = vector.shape_cast %get3A_182 : vector<1x16xf32> to vector<16xf32>
    %get3A_184 = arith.constant 10 : i32
    %get3A_185 = arith.index_cast %get3A_184 : i32 to index
    %get3A_186 = arith.constant 0 : index
    %get3A_187 = tpu.vector_load %arg9[%get3A_185, %get3A_186] {strides = array<i32>} : memref<12x16xf32, #tpu.memory_space<vmem>>, vector<1x16xf32>,
    %get3A_188 = vector.shape_cast %get3A_187 : vector<1x16xf32> to vector<16xf32>
    %get3A_189 = arith.constant 2 : i32
    %get3A_190 = arith.index_cast %get3A_189 : i32 to index
    %get3A_191 = arith.constant 0 : index
    %get3A_192 = tpu.vector_load %arg10[%get3A_190, %get3A_191] {strides = array<i32>} : memref<4x16xi32, #tpu.memory_space<vmem>>, vector<1x16xi32>,
    %get3A_193 = vector.shape_cast %get3A_192 : vector<1x16xi32> to vector<16xi32>
    %scan3A_194 = arith.constant 0 : i32
    %scan3A_195 = arith.constant 0 : i32
    %scan3A_196 = arith.constant 256 : i32
    %scan3A_197 = arith.addi %scan3A_195, %scan3A_196 : i32
    %scan3A_198 = arith.constant 1 : i32
    %scan3A_199 = scf.for %scan3A_223 = %scan3A_195 to %scan3A_197 step %scan3A_198 iter_args(%scan3A_224 = %scan3A_194) -> (i32)  : i32 {
      %mul3A_225 = arith.constant 16 : i32
      %mul3A_226 = arith.muli %scan3A_223, %mul3A_225 : i32
      %get3A_227 = arith.index_cast %mul3A_226 : i32 to index
      %get3A_228 = tpu.vector_load %arg11[%get3A_227] {strides = array<i32>} : memref<4096xf32, #tpu.memory_space<vmem>>, vector<16xf32>,
      %get3A_229 = vector.shape_cast %get3A_228 : vector<16xf32> to vector<16xf32>
      %get3A_230 = arith.index_cast %mul3A_226 : i32 to index
      %get3A_231 = tpu.vector_load %arg12[%get3A_230] {strides = array<i32>} : memref<4096xf32, #tpu.memory_space<vmem>>, vector<16xf32>,
      %get3A_232 = vector.shape_cast %get3A_231 : vector<16xf32> to vector<16xf32>
      %lt3A = arith.constant 0 : i32
      %lt3A_233 = vector.broadcast %lt3A : i32 to vector<16xi32>
      %lt3A_234 = arith.cmpi slt, %get3A_193, %lt3A_233 : vector<16xi32>
      %add3A_235 = arith.constant 16 : i32
      %add3A_236 = vector.broadcast %add3A_235 : i32 to vector<16xi32>
      %add3A_237 = arith.addi %get3A_193, %add3A_236 : vector<16xi32>
      %select_n3A = arith.select %lt3A_234, %add3A_237, %get3A_193 : vector<16xi1>, vector<16xi32>
      %broadcast_in_dim3A = vector.shape_cast %select_n3A : vector<16xi32> to vector<16x1xi32>
      %gather3A = vector.shape_cast %broadcast_in_dim3A : vector<16x1xi32> to vector<16xi32>
      %gather3A_238 = tpu.dynamic_gather %get3A_229[%gather3A] in [0] : vector<16xf32>, vector<16xi32> -> vector<16xf32>
      %lt3A_239 = arith.constant 0 : i32
      %lt3A_240 = vector.broadcast %lt3A_239 : i32 to vector<16xi32>
      %lt3A_241 = arith.cmpi slt, %get3A_193, %lt3A_240 : vector<16xi32>
      %add3A_242 = arith.constant 16 : i32
      %add3A_243 = vector.broadcast %add3A_242 : i32 to vector<16xi32>
      %add3A_244 = arith.addi %get3A_193, %add3A_243 : vector<16xi32>
      %select_n3A_245 = arith.select %lt3A_241, %add3A_244, %get3A_193 : vector<16xi1>, vector<16xi32>
      %broadcast_in_dim3A_246 = vector.shape_cast %select_n3A_245 : vector<16xi32> to vector<16x1xi32>
      %gather3A_247 = vector.shape_cast %broadcast_in_dim3A_246 : vector<16x1xi32> to vector<16xi32>
      %gather3A_248 = tpu.dynamic_gather %get3A_232[%gather3A_247] in [0] : vector<16xf32>, vector<16xi32> -> vector<16xf32>
      %mul3A_249 = arith.mulf %get3A_183, %get3A_229 : vector<16xf32>
      %mul3A_250 = arith.mulf %get3A_188, %gather3A_248 : vector<16xf32>
      %add3A_251 = arith.addf %mul3A_249, %mul3A_250 : vector<16xf32>
      %swap3A = arith.index_cast %mul3A_226 : i32 to index
      %swap3A_252 = tpu.vector_load %arg13[%swap3A] {strides = array<i32>} : memref<4096xf32, #tpu.memory_space<vmem>>, vector<16xf32>,
      %swap3A_253 = vector.shape_cast %swap3A_252 : vector<16xf32> to vector<16xf32>
      %swap3A_254 = vector.shape_cast %add3A_251 : vector<16xf32> to vector<16xf32>
      tpu.vector_store %arg13[%swap3A], %swap3A_254 {strides = array<i32>} : memref<4096xf32, #tpu.memory_space<vmem>>, vector<16xf32>,
      %mul3A_255 = arith.mulf %get3A_183, %get3A_232 : vector<16xf32>
      %mul3A_256 = arith.mulf %get3A_188, %gather3A_238 : vector<16xf32>
      %sub3A = arith.subf %mul3A_255, %mul3A_256 : vector<16xf32>
      %swap3A_257 = arith.index_cast %mul3A_226 : i32 to index
      %swap3A_258 = tpu.vector_load %arg14[%swap3A_257] {strides = array<i32>} : memref<4096xf32, #tpu.memory_space<vmem>>, vector<16xf32>,
      %swap3A_259 = vector.shape_cast %swap3A_258 : vector<16xf32> to vector<16xf32>
      %swap3A_260 = vector.shape_cast %sub3A : vector<16xf32> to vector<16xf32>
      tpu.vector_store %arg14[%swap3A_257], %swap3A_260 {strides = array<i32>} : memref<4096xf32, #tpu.memory_space<vmem>>, vector<16xf32>,
      %scan3A_261 = arith.constant 0 : i32
      scf.yield %scan3A_261 : i32
    }
    %scan3A_200 = arith.constant 256 : i32
    %get3A_201 = arith.constant 11 : i32
    %get3A_202 = arith.index_cast %get3A_201 : i32 to index
    %get3A_203 = arith.constant 0 : index
    %get3A_204 = tpu.vector_load %arg8[%get3A_202, %get3A_203] {strides = array<i32>} : memref<12x16xf32, #tpu.memory_space<vmem>>, vector<1x16xf32>,
    %get3A_205 = vector.shape_cast %get3A_204 : vector<1x16xf32> to vector<16xf32>
    %get3A_206 = arith.constant 11 : i32
    %get3A_207 = arith.index_cast %get3A_206 : i32 to index
    %get3A_208 = arith.constant 0 : index
    %get3A_209 = tpu.vector_load %arg9[%get3A_207, %get3A_208] {strides = array<i32>} : memref<12x16xf32, #tpu.memory_space<vmem>>, vector<1x16xf32>,
    %get3A_210 = vector.shape_cast %get3A_209 : vector<1x16xf32> to vector<16xf32>
    %get3A_211 = arith.constant 3 : i32
    %get3A_212 = arith.index_cast %get3A_211 : i32 to index
    %get3A_213 = arith.constant 0 : index
    %get3A_214 = tpu.vector_load %arg10[%get3A_212, %get3A_213] {strides = array<i32>} : memref<4x16xi32, #tpu.memory_space<vmem>>, vector<1x16xi32>,
    %get3A_215 = vector.shape_cast %get3A_214 : vector<1x16xi32> to vector<16xi32>
    %scan3A_216 = arith.constant 0 : i32
    %scan3A_217 = arith.constant 0 : i32
    %scan3A_218 = arith.constant 256 : i32
    %scan3A_219 = arith.addi %scan3A_217, %scan3A_218 : i32
    %scan3A_220 = arith.constant 1 : i32
    %scan3A_221 = scf.for %scan3A_223 = %scan3A_217 to %scan3A_219 step %scan3A_220 iter_args(%scan3A_224 = %scan3A_216) -> (i32)  : i32 {
      %mul3A_225 = arith.constant 16 : i32
      %mul3A_226 = arith.muli %scan3A_223, %mul3A_225 : i32
      %get3A_227 = arith.index_cast %mul3A_226 : i32 to index
      %get3A_228 = tpu.vector_load %arg13[%get3A_227] {strides = array<i32>} : memref<4096xf32, #tpu.memory_space<vmem>>, vector<16xf32>,
      %get3A_229 = vector.shape_cast %get3A_228 : vector<16xf32> to vector<16xf32>
      %get3A_230 = arith.index_cast %mul3A_226 : i32 to index
      %get3A_231 = tpu.vector_load %arg14[%get3A_230] {strides = array<i32>} : memref<4096xf32, #tpu.memory_space<vmem>>, vector<16xf32>,
      %get3A_232 = vector.shape_cast %get3A_231 : vector<16xf32> to vector<16xf32>
      %lt3A = arith.constant 0 : i32
      %lt3A_233 = vector.broadcast %lt3A : i32 to vector<16xi32>
      %lt3A_234 = arith.cmpi slt, %get3A_215, %lt3A_233 : vector<16xi32>
      %add3A_235 = arith.constant 16 : i32
      %add3A_236 = vector.broadcast %add3A_235 : i32 to vector<16xi32>
      %add3A_237 = arith.addi %get3A_215, %add3A_236 : vector<16xi32>
      %select_n3A = arith.select %lt3A_234, %add3A_237, %get3A_215 : vector<16xi1>, vector<16xi32>
      %broadcast_in_dim3A = vector.shape_cast %select_n3A : vector<16xi32> to vector<16x1xi32>
      %gather3A = vector.shape_cast %broadcast_in_dim3A : vector<16x1xi32> to vector<16xi32>
      %gather3A_238 = tpu.dynamic_gather %get3A_229[%gather3A] in [0] : vector<16xf32>, vector<16xi32> -> vector<16xf32>
      %lt3A_239 = arith.constant 0 : i32
      %lt3A_240 = vector.broadcast %lt3A_239 : i32 to vector<16xi32>
      %lt3A_241 = arith.cmpi slt, %get3A_215, %lt3A_240 : vector<16xi32>
      %add3A_242 = arith.constant 16 : i32
      %add3A_243 = vector.broadcast %add3A_242 : i32 to vector<16xi32>
      %add3A_244 = arith.addi %get3A_215, %add3A_243 : vector<16xi32>
      %select_n3A_245 = arith.select %lt3A_241, %add3A_244, %get3A_215 : vector<16xi1>, vector<16xi32>
      %broadcast_in_dim3A_246 = vector.shape_cast %select_n3A_245 : vector<16xi32> to vector<16x1xi32>
      %gather3A_247 = vector.shape_cast %broadcast_in_dim3A_246 : vector<16x1xi32> to vector<16xi32>
      %gather3A_248 = tpu.dynamic_gather %get3A_232[%gather3A_247] in [0] : vector<16xf32>, vector<16xi32> -> vector<16xf32>
      %mul3A_249 = arith.mulf %get3A_205, %get3A_229 : vector<16xf32>
      %mul3A_250 = arith.mulf %get3A_210, %gather3A_248 : vector<16xf32>
      %add3A_251 = arith.addf %mul3A_249, %mul3A_250 : vector<16xf32>
      %swap3A = arith.index_cast %mul3A_226 : i32 to index
      %swap3A_252 = tpu.vector_load %arg11[%swap3A] {strides = array<i32>} : memref<4096xf32, #tpu.memory_space<vmem>>, vector<16xf32>,
      %swap3A_253 = vector.shape_cast %swap3A_252 : vector<16xf32> to vector<16xf32>
      %swap3A_254 = vector.shape_cast %add3A_251 : vector<16xf32> to vector<16xf32>
      tpu.vector_store %arg11[%swap3A], %swap3A_254 {strides = array<i32>} : memref<4096xf32, #tpu.memory_space<vmem>>, vector<16xf32>,
      %mul3A_255 = arith.mulf %get3A_205, %get3A_232 : vector<16xf32>
      %mul3A_256 = arith.mulf %get3A_210, %gather3A_238 : vector<16xf32>
      %sub3A = arith.subf %mul3A_255, %mul3A_256 : vector<16xf32>
      %swap3A_257 = arith.index_cast %mul3A_226 : i32 to index
      %swap3A_258 = tpu.vector_load %arg12[%swap3A_257] {strides = array<i32>} : memref<4096xf32, #tpu.memory_space<vmem>>, vector<16xf32>,
      %swap3A_259 = vector.shape_cast %swap3A_258 : vector<16xf32> to vector<16xf32>
      %swap3A_260 = vector.shape_cast %sub3A : vector<16xf32> to vector<16xf32>
      tpu.vector_store %arg12[%swap3A_257], %swap3A_260 {strides = array<i32>} : memref<4096xf32, #tpu.memory_space<vmem>>, vector<16xf32>,
      %scan3A_261 = arith.constant 0 : i32
      scf.yield %scan3A_261 : i32
    }
    %scan3A_222 = arith.constant 256 : i32
    "tpu.region"() ({
      %run_scoped3A = tpu.sem_alloc : memref<!tpu.dma_semaphore, #tpu.memory_space<semaphore_mem>>
      %dma_start3A = arith.constant 0 : i32
      %dma_start3A_223 = tpu.memref_slice %arg6[%add3A, %dma_start3A] : memref<32x4096xf32, #tpu.memory_space<hbm>> -> memref<1x4096xf32, #tpu.memory_space<hbm>>
      %dma_start3A_224 = tpu.memref_squeeze %dma_start3A_223 : memref<1x4096xf32, #tpu.memory_space<hbm>> -> memref<4096xf32, #tpu.memory_space<hbm>>
      %dma_start3A_225 = arith.constant 0 : i32
      %dma_start3A_226 = tpu.memref_slice %arg6[%add3A, %dma_start3A_225] : memref<32x4096xf32, #tpu.memory_space<hbm>> -> memref<1x4096xf32, #tpu.memory_space<hbm>>
      %dma_start3A_227 = tpu.memref_squeeze %dma_start3A_226 : memref<1x4096xf32, #tpu.memory_space<hbm>> -> memref<4096xf32, #tpu.memory_space<hbm>>
      tpu.enqueue_dma source(%arg11 : memref<4096xf32, #tpu.memory_space<vmem>>) target(%dma_start3A_227 : memref<4096xf32, #tpu.memory_space<hbm>>) target_semaphore(%run_scoped3A : memref<!tpu.dma_semaphore, #tpu.memory_space<semaphore_mem>>)
      %dma_wait3A = arith.constant 0 : i32
      %dma_wait3A_228 = tpu.memref_slice %arg6[%add3A, %dma_wait3A] : memref<32x4096xf32, #tpu.memory_space<hbm>> -> memref<1x4096xf32, #tpu.memory_space<hbm>>
      %dma_wait3A_229 = tpu.memref_squeeze %dma_wait3A_228 : memref<1x4096xf32, #tpu.memory_space<hbm>> -> memref<4096xf32, #tpu.memory_space<hbm>>
      %dma_wait3A_230 = arith.constant 0 : i32
      %dma_wait3A_231 = tpu.memref_slice %arg6[%add3A, %dma_wait3A_230] : memref<32x4096xf32, #tpu.memory_space<hbm>> -> memref<1x4096xf32, #tpu.memory_space<hbm>>
      %dma_wait3A_232 = tpu.memref_squeeze %dma_wait3A_231 : memref<1x4096xf32, #tpu.memory_space<hbm>> -> memref<4096xf32, #tpu.memory_space<hbm>>
      tpu.wait_dma2 semaphore(%run_scoped3A : memref<!tpu.dma_semaphore, #tpu.memory_space<semaphore_mem>>) src(%arg11 : memref<4096xf32, #tpu.memory_space<vmem>>) dst(%dma_wait3A_232 : memref<4096xf32, #tpu.memory_space<hbm>>)
      tpu.yield
    }) : () -> ()
    "tpu.region"() ({
      %run_scoped3A = tpu.sem_alloc : memref<!tpu.dma_semaphore, #tpu.memory_space<semaphore_mem>>
      %dma_start3A = arith.constant 0 : i32
      %dma_start3A_223 = tpu.memref_slice %arg7[%add3A, %dma_start3A] : memref<32x4096xf32, #tpu.memory_space<hbm>> -> memref<1x4096xf32, #tpu.memory_space<hbm>>
      %dma_start3A_224 = tpu.memref_squeeze %dma_start3A_223 : memref<1x4096xf32, #tpu.memory_space<hbm>> -> memref<4096xf32, #tpu.memory_space<hbm>>
      %dma_start3A_225 = arith.constant 0 : i32
      %dma_start3A_226 = tpu.memref_slice %arg7[%add3A, %dma_start3A_225] : memref<32x4096xf32, #tpu.memory_space<hbm>> -> memref<1x4096xf32, #tpu.memory_space<hbm>>
      %dma_start3A_227 = tpu.memref_squeeze %dma_start3A_226 : memref<1x4096xf32, #tpu.memory_space<hbm>> -> memref<4096xf32, #tpu.memory_space<hbm>>
      tpu.enqueue_dma source(%arg12 : memref<4096xf32, #tpu.memory_space<vmem>>) target(%dma_start3A_227 : memref<4096xf32, #tpu.memory_space<hbm>>) target_semaphore(%run_scoped3A : memref<!tpu.dma_semaphore, #tpu.memory_space<semaphore_mem>>)
      %dma_wait3A = arith.constant 0 : i32
      %dma_wait3A_228 = tpu.memref_slice %arg7[%add3A, %dma_wait3A] : memref<32x4096xf32, #tpu.memory_space<hbm>> -> memref<1x4096xf32, #tpu.memory_space<hbm>>
      %dma_wait3A_229 = tpu.memref_squeeze %dma_wait3A_228 : memref<1x4096xf32, #tpu.memory_space<hbm>> -> memref<4096xf32, #tpu.memory_space<hbm>>
      %dma_wait3A_230 = arith.constant 0 : i32
      %dma_wait3A_231 = tpu.memref_slice %arg7[%add3A, %dma_wait3A_230] : memref<32x4096xf32, #tpu.memory_space<hbm>> -> memref<1x4096xf32, #tpu.memory_space<hbm>>
      %dma_wait3A_232 = tpu.memref_squeeze %dma_wait3A_231 : memref<1x4096xf32, #tpu.memory_space<hbm>> -> memref<4096xf32, #tpu.memory_space<hbm>>
      tpu.wait_dma2 semaphore(%run_scoped3A : memref<!tpu.dma_semaphore, #tpu.memory_space<semaphore_mem>>) src(%arg12 : memref<4096xf32, #tpu.memory_space<vmem>>) dst(%dma_wait3A_232 : memref<4096xf32, #tpu.memory_space<hbm>>)
      tpu.yield
    }) : () -> ()
    return
  }
}

</mosaic_0001>

<sc_bundles>
// kernel: kernel.3.cloned.1.call-start
scs
__scs_entry_jumppad:
0x0: {  	(pc) =	sbr.rel $0x88, $3  }
0x1: {  	(tag) =	ssettag $0x0;
	lr =	simm.s32 $0x1  }
0x2: {  	[smem:$0x3F9F] =	sst lr;
	_ =	strace $0xD0000000  }
0x3: {  	_ = 	snop  }
0x4: {  	_ = 	snop  }
0x5: {  	_ = 	snop  }
0x6: {  	_ = 	snop  }
0x7: {  	_ = 	snop  }
__scs_overlays_trampoline_lowered:
0x8: {  	[smem:$0x3FAE] =	sst s0  }
0x9: {  	[smem:$0x3FAF] =	sst s1  }
0xa: {  	[smem:$0x3FB0] =	sst s2  }
0xb: {  	[smem:$0x3FB1] =	sst s3  }
0xc: {  	[smem:$0x3FB2] =	sst s4  }
0xd: {  	[smem:$0x3FB3] =	sst s5  }
0xe: {  	[smem:$0x3FB4] =	sst s6  }
0xf: {  	[smem:$0x3FB5] =	sst s7  }
0x10: {  	[smem:$0x3FB6] =	sst s8  }
0x11: {  	[smem:$0x3FB7] =	sst s9;
	s0 =	simm.s32 @!p0 $0x0  }
0x12: {  	s1 =	sld [smem:$0x3F9D];
	s0 =	simm.s32 @p0 $0x1  }
0x13: {  	[smem:$0x3FB8] =	sst s0;
	s0 =	simm.s32 @!p1 $0x0  }
0x14: {  	s2 =	sld [smem:$0x3F9C];
	s0 =	simm.s32 @p1 $0x1  }
0x15: {  	[smem:$0x3FB9] =	sst s0;
	s0 =	simm.s32 @!p2 $0x0  }
0x16: {  	s3 =	sld [smem:$0x3FDB];
	s0 =	simm.s32 @p2 $0x1  }
0x17: {  	s4 =	simm.s32 $0x1BF5;
	[smem:$0x3FBB] =	sst s0  }
0x18: {  	s0 =	sld [smem:$0x3F9E];
	_ =	swait.ge [sflag:s4], $0x0  }
0x19: {  	s7 =	sld [smem:$0x3F9F]  }
0x1a: {  	s8 =	sadd.s32 $0xFFFFE003, lr  }
0x1b: {  	s9 =	sadd.s32 $0xFFFFFEF7, lr;
	s5 =	simm.s32 $0xFFFFFFFF;
	p2 =	slt.u32 s8, $0xFFFFF086  }
0x1c: {  	p1 =	slt.u32 s9, $0xF7A;
	s5 =	simm.s32 @!p2 $0x0  }
0x1d: {  	s5 =	simm.s32 @p1 $0x1;
	p0 =	seq.s32 s7, s2  }
0x1e: {  	s7 =	smul.u32 @!p0 $0xF7A, s2;
	p2 =	seq.s32 @!p0 s5, $0x0  }
0x1f: {  	s9 =	smul.u32 $0xF7A, s1;
	s8 =	simm.s32 @!p0 $0x1BF5;
	p2 =	por !p2, p0  }
0x20: {  	[sflag:s8] =	ssyncset.s32 @!p0 $0xFFFFF086;
	s6 =	sadd.s32 @!p0 s3, s7;
	s7 =	simm.s32 @!p0 $0x108  }
0x21: {  	s3 =	sadd.s32 s3, s9;
	s6 =	sadd.s32 @!p0 $0x88, s6;
	s7 =	simm.s32 @p2 $0x1082  }
0x22: {  	[simem:s7], [sflag:s8] =	dma.local @!p0 [hbm:s6], $0xF7A  }
0x23: {  	s9 =	sor.u32 $0xD0000000, s2;
	s6 =	simm.s32 $0x108;
	_ =	swait.ge @!p0 [sflag:s8], $0x0  }
0x24: {  	s3 =	sadd.s32 $0x88, s3;
	s6 =	simm.s32 @!p1 $0x1082;
	[sflag:s4] =	ssyncset.s32 $0xFFFFF086  }
0x25: {  	[simem:s6], [sflag:s4] =	dma.local [hbm:s3], $0xF7A  }
0x26: {  	[smem:$0x3F9F] =	sst s1;
	(tag) =	ssettag s2;
	_ =	strace s9  }
0x27: {  	s1 =	sld [smem:$0x3FAF]  }
0x28: {  	s2 =	sld [smem:$0x3FB0]  }
0x29: {  	s4 =	sld [smem:$0x3FB2]  }
0x2a: {  	p0 =	seq.s32 s5, $0x0;
	s5 =	sld [smem:$0x3FB3]  }
0x2b: {  	s6 =	sld [smem:$0x3FB4]  }
0x2c: {  	s7 =	sld [smem:$0x3FB5]  }
0x2d: {  	s3 =	simm.s32 $0x108;
	s8 =	sld [smem:$0x3FB6]  }
0x2e: {  	s3 =	simm.s32 @!p0 $0x1082;
	s9 =	sld [smem:$0x3FB7]  }
0x2f: {  	lr =	sadd.s32 s0, s3;
	s0 =	sld [smem:$0x3FAE]  }
0x30: {  	s3 =	sld [smem:$0x3FB1]  }
0x31: {  	[smem:$0x3FBA] =	sst s10  }
0x32: {  	s10 =	sld [smem:$0x3FB8];
	_ =	sdelay $0x3  }
0x33: {  	p0 =	seq.s32 s10, $0x1;
	s10 =	sld [smem:$0x3FBA];
	_ =	sdelay $0x3  }
0x34: {  	[smem:$0x3FBA] =	sst s10  }
0x35: {  	s10 =	sld [smem:$0x3FB9];
	_ =	sdelay $0x3  }
0x36: {  	p1 =	seq.s32 s10, $0x1;
	s10 =	sld [smem:$0x3FBA];
	_ =	sdelay $0x3  }
0x37: {  	[smem:$0x3FBA] =	sst s10  }
0x38: {  	s10 =	sld [smem:$0x3FBB]  }
0x39: {  	_ = 	snop;
	(pc) =	sbr.ind lr, $3  }
0x3a: {  	_ = 	snop  }
0x3b: {  	_ = 	snop  }
0x3c: {  	p2 =	seq.s32 s10, $0x1;
	s10 =	sld [smem:$0x3FBA]  }
0x3d: {  	_ =	shalt  }
0x3e: {  	_ =	shalt  }
0x3f: {  	_ =	shalt  }
0x40: {  	_ =	shalt  }
0x41: {  	_ =	shalt  }
0x42: {  	_ =	shalt  }
0x43: {  	_ =	shalt  }
0x44: {  	_ =	shalt  }
0x45: {  	_ =	shalt  }
0x46: {  	_ =	shalt  }
0x47: {  	_ =	shalt  }
0x48: {  	_ =	shalt  }
0x49: {  	_ =	shalt  }
0x4a: {  	_ =	shalt  }
0x4b: {  	_ =	shalt  }
0x4c: {  	_ =	shalt  }
0x4d: {  	_ =	shalt  }
0x4e: {  	_ =	shalt  }
0x4f: {  	_ =	shalt  }
0x50: {  	_ =	shalt  }
0x51: {  	_ =	shalt  }
0x52: {  	_ =	shalt  }
0x53: {  	_ =	shalt  }
0x54: {  	_ =	shalt  }
0x55: {  	_ =	shalt  }
0x56: {  	_ =	shalt  }
0x57: {  	_ =	shalt  }
0x58: {  	_ =	shalt  }
0x59: {  	_ =	shalt  }
0x5a: {  	_ =	shalt  }
0x5b: {  	_ =	shalt  }
0x5c: {  	_ =	shalt  }
0x5d: {  	_ =	shalt  }
0x5e: {  	_ =	shalt  }
0x5f: {  	_ =	shalt  }
0x60: {  	_ =	shalt  }
0x61: {  	_ =	shalt  }
0x62: {  	_ =	shalt  }
0x63: {  	_ =	shalt  }
0x64: {  	_ =	shalt  }
0x65: {  	_ =	shalt  }
0x66: {  	_ =	shalt  }
0x67: {  	_ =	shalt  }
0x68: {  	_ =	shalt  }
0x69: {  	_ =	shalt  }
0x6a: {  	_ =	shalt  }
0x6b: {  	_ =	shalt  }
0x6c: {  	_ =	shalt  }
0x6d: {  	_ =	shalt  }
0x6e: {  	_ =	shalt  }
0x6f: {  	_ =	shalt  }
0x70: {  	_ =	shalt  }
0x71: {  	_ =	shalt  }
0x72: {  	_ =	shalt  }
0x73: {  	_ =	shalt  }
0x74: {  	_ =	shalt  }
0x75: {  	_ =	shalt  }
0x76: {  	_ =	shalt  }
0x77: {  	_ =	shalt  }
0x78: {  	_ =	shalt  }
0x79: {  	_ =	shalt  }
0x7a: {  	_ =	shalt  }
0x7b: {  	_ =	shalt  }
0x7c: {  	_ =	shalt  }
0x7d: {  	_ =	shalt  }
0x7e: {  	_ =	shalt  }
0x7f: {  	_ =	shalt  }
0x80: {  	_ =	shalt  }
0x81: {  	_ =	shalt  }
0x82: {  	_ =	shalt  }
0x83: {  	_ =	shalt  }
0x84: {  	_ =	shalt  }
0x85: {  	_ =	shalt  }
0x86: {  	_ =	shalt  }
0x87: {  	_ =	shalt  }
.Lfunc_end0:
.L_simem_size_0:
called_computation_lowered:
.L_overlay_start_0:
0x88: {  	s2 =	sld [smem:$0x3FD9]  }
0x89: {  	s3 =	sld [smem:$0x3FFE];
	_ =	sdelay $0x1  }
0x8a: {  	s1 =	srdreg.scid  }
0x8b: {  	s0 =	sand.u32 $0x1, s1  }
0x8c: {  	s17 =	sshll.u32 s0, $0xA;
	s2 =	sadd.s32 s3, s2  }
0x8d: {  	s2 =	sadd.s32 s2, s17  }
0x8e: {  	[smem:$0x3FC6] =	sst s2  }
0x8f: {  	_ = 	snop  }
0x90: {  	s2 =	sld [smem:$0x3FC9]  }
0x91: {  	s18 =	sld [smem:$0x3FD0];
	(tm) =	ssettm $0x1  }
0x92: {  	s4 =	sld [smem:$0x3FFB];
	_ =	sdelay $0x3  }
0x93: {  	_ =	strace s4  }
0x94: {  	s4 =	sld [smem:$0x3FFC];
	_ =	sdelay $0x3  }
0x95: {  	_ =	strace s4  }
0x96: {  	s4 =	sld [smem:$0x3FFD];
	_ =	sdelay $0x3  }
0x97: {  	_ =	strace s4  }
0x98: {  	_ =	strace $0x8FFFFFFF  }
0x99: {  	s19 =	sld [smem:$0x3FDB];
	_ =	sdelay $0x1  }
0x9a: {  	s5 =	simm.s32 $_scs_section_size  }
0x9b: {  	s6 =	simm.s32 $_size__tile_overlayer_lowered;
	s7 =	simm.s32 $_tile_overlayer_lowered  }
0x9c: {  	s22 =	simm.s32 $0x1BFF;
	s21 =	sshll.u32 s7, $0x1;
	s4 =	sadd.s32 s5, s19  }
0x9d: {  	s8 =	simm.s32 $0x0;
	s20 =	sshll.u32 s6, $0x1;
	s6 =	sadd.s32 s21, s4  }
0x9e: {  	[timem:s8], [sflag:s22] =	dma.local [hbm:s6], s20  }
0x9f: {  	_ =	swait.ge [sflag:s22], s20  }
0xa0: {  	s5 =	ssub.s32 $0x0, s20;
	[sflag:s22] =	ssyncset.done $0x0  }
0xa1: {  	[sflag:s22] =	ssyncadd.s32 s5;
	_ =	sdelay $0x1  }
0xa2: {  	s23 =	simm.s32 $0x1B8B  }
0xa3: {  	_ =	swait.ge [sflag:s23], $0x1  }
0xa4: {  	[sflag:s23] =	ssyncset.done $0x0  }
0xa5: {  	s25 =	simm.s32 $0x1B8E;
	s24 =	sld [smem:$0x3FFE];
	[sflag:s23] =	ssyncadd.s32 $0xFFFFFFFF  }
0xa6: {  	s26 =	simm.s32 $execute0_lowered;
	[smem:$0x3FD2] =	sst s25  }
0xa7: {  	s6 =	sshll.u32 s26, $0x1;
	_ =	strace $0x80000046;
	[dreg:$0x1] =	wrdreg $0xFFFFFFFF  }
0xa8: {  	s28 =	simm.s32 $_size_execute0_lowered;
	s4 =	sadd.s32 s4, s6;
	[dreg:$0x0] =	wrdreg $0x0  }
0xa9: {  	s6 =	sshll.u32 s28, $0x1;
	[dreg:$0x2] =	wrdreg s4  }
0xaa: {  	[dreg:$0x3] =	wrdreg s6  }
0xab: {  	[dreg:$0x4] =	wrdreg $0xC0  }
0xac: {  	_ =	task [dreg:s8], $0x5FFFF  }
0xad: {  	[dreg:$0x1] =	wrdreg $0xFFFFFFFF  }
0xae: {  	[dreg:$0x0] =	wrdreg $0x60  }
0xaf: {  	[dreg:$0x2] =	wrdreg s2  }
0xb0: {  	[dreg:$0x3] =	wrdreg s18  }
0xb1: {  	[dreg:$0x4] =	wrdreg s24  }
0xb2: {  	[dreg:$0x5] =	wrdreg $0x9  }
0xb3: {  	_ =	task.clear_ibuf [dreg:s8], $0x6FFFF;
	_ =	strace $0x90000046  }
0xb4: {  	s29 =	simm.s32 $0x9;
	_ =	strace $0x80000048  }
0xb5: {  	_ =	swait.ge [sflag:s29], $0x1  }
0xb6: {  	[sflag:s29] =	ssyncadd.s32 $0xFFFFFFFF  }
0xb7: {  	_ =	strace $0x90000048  }
0xb8: {  	_ =	sfence  }
0xb9: {  	s30 =	sld [smem:$0x0];
	_ =	sdelay $0x2  }
0xba: {  	s31 =	sshll.u32 s1, $0xD;
	s1 =	sshrl.u32 s1, $0x2  }
0xbb: {  	s3 =	sand.u32 $0x4000, s31;
	s1 =	sadd.s32 s1, s30  }
0xbc: {  	s0 =	sor.u32 s3, s0;
	s1 =	sshll.u32 s1, $0x11  }
0xbd: {  	s0 =	sor.u32 s1, s0  }
0xbe: {  	s0 =	sadd.s32 $0x8F2B, s0  }
0xbf: {  	[sflag:s0] =	ssyncadd.remote.s32 $0x1  }
0xc0: {  	_ =	sfence.sel $0xFFFF  }
0xc1: {  	[dreg:$0x0] =	wrdreg $0xFFFFFFFF;
	(pc) =	sbr.abs _section_cstart, $3  }
0xc2: {  	[dreg:$0x1] =	wrdreg $0xFFFFFFFF  }
0xc3: {  	_ =	task.clear_ibuf [dreg:s8], $0x2FFFF;
	_ =	strace $0x9FFFFFFF  }
0xc4: {  	(tm) =	ssettm $0x7FFFFFFF  }
0xc5: {  	_ =	shalt  }
tec
execute0_lowered:
.L_overlay_start_1:
0x0: {  	(tag) =	ssettag $0x1  }
0x1: {  	s6 =	rddreg [dreg:$0x0]  }
0x2: {  	s1 =	rddreg [dreg:$0x1]  }
0x3: {  	s7 =	rddreg [dreg:$0x2]  }
0x4: {  	s0 =	rddreg [dreg:$0x3];
	s3 =	simm.s32 $0x0  }
0x5: {  	s4 =	srdreg.scid;
	s2 =	stileid.u32;
	s12 =	simm.s32 $0x1  }
0x6: {  	s13 =	simm.s32 $0x800;
	s14 =	simm.s32 $0x1000;
	s15 =	simm.s32 $0x1200  }
0x7: {  	s16 =	simm.s32 $0x2200;
	s17 =	simm.s32 $0x0;
	[smem:$0x7FF] =	sst s3  }
0x8: {  	s4 =	sand.u32 $0x1, s4;
	s5 =	sshll.u32 s2, $0x5;
	s8 =	sshll.u32 s2, $0xA  }
0x9: {  	_ =	strace $0x80000047;
	s9 =	sshll.u32 s4, $0x4;
	s5 =	sand.u32 $0x60, s5  }
0xa: {  	s8 =	sand.u32 $0x3000, s8;
	s31 =	ssub.s32 $0x2, s4;
	s5 =	sor.u32 s9, s5  }
0xb: {  	s4 =	sadd.s32 $0xE00, s7;
	s10 =	sshrl.u32 s31, $0x1;
	s8 =	sor.u32 s8, s5  }
0xc: {  	s5 =	sadd.s32 $0x1000, s7;
	s9 =	ssub.s32 s31, s10;
	s10 =	simm.s32 $0x80  }
0xd: {  	s11 =	sadd.s32 s8, s7;
	s6 =	sadd.s32 s6, s8;
	s9 =	smax.u32 s9, $0x1  }
0xe: {  	s7 =	sadd.s32 $0x1200, s11;
	s8 =	sadd.s32 $0x5200, s11;
	s11 =	simm.s32 $0x400  }
.LBB2_1:
0xf: {  	[tilespmem:s15], [sflag:$0x1] =	stream.strided.gather [hbm4b:s6+s10], $0x1000, s11, s10, $0x38;
	[tilespmem:$0x5200] =	vst v63  }
0x10: {  	_ =	swait.ge [sflag:s12], $0x1000  }
0x11: {  	[sflag:s12] =	ssyncset.done $0x0  }
0x12: {  	[sflag:s12] =	ssyncadd.s32 $0xFFFFF000  }
0x13: {  	[tilespmem:s3], [sflag:$0x1] =	stream.linear.gather [hbm4b:s1+s3], $0x600, $0x38;
	[tilespmem:$0x5200] =	vst v63  }
0x14: {  	_ =	swait.ge [sflag:s12], $0x600  }
0x15: {  	[sflag:s12] =	ssyncset.done $0x0  }
0x16: {  	[sflag:s12] =	ssyncadd.s32 $0xFFFFFA00  }
0x17: {  	[tilespmem:s13], [sflag:$0x1] =	stream.linear.gather [hbm4b:s4+s3], $0x600, $0x38;
	[tilespmem:$0x5200] =	vst v63  }
0x18: {  	_ =	swait.ge [sflag:s12], $0x600  }
0x19: {  	[sflag:s12] =	ssyncset.done $0x0  }
0x1a: {  	[sflag:s12] =	ssyncadd.s32 $0xFFFFFA00  }
0x1b: {  	[tilespmem:s14], [sflag:$0x1] =	stream.linear.gather [hbm4b:s5+s3], $0x200, $0x38;
	[tilespmem:$0x5200] =	vst v63  }
0x1c: {  	_ =	swait.ge [sflag:s12], $0x200  }
0x1d: {  	[sflag:s12] =	ssyncset.done $0x0  }
0x1e: {  	[sflag:s12] =	ssyncadd.s32 $0xFFFFFE00  }
0x1f: {  	v0 =	vld [tilespmem:$0x0]  }
0x20: {  	v1 =	vld [tilespmem:$0x800]  }
0x21: {  	s18 =	sxor.u32 $0x800, s3;
	v2 =	vld [tilespmem:s15+$0x0]  }
0x22: {  	v3 =	vld [tilespmem:s18+$0x1200];
	_ =	sdelay $0x2  }
0x23: {  	v1 =	vsub.f32 $0.0e+00, v1  }
0x24: {  	v2 =	vmul.f32 v2, v0  }
0x25: {  	s18 =	simm.s32 $0x3200;
	v3 =	vmul.f32 v3, v1  }
0x26: {  	s19 =	simm.s32 $0x4200;
	[tilespmem:s18+$0x0] =	vst v2  }
0x27: {  	s21 =	simm.s32 $0x10;
	s20 =	simm.s32 $0x1210;
	[tilespmem:s19+$0x0] =	vst v3  }
0x28: {  	s22 =	sxor.u32 $0x800, s21;
	s21 =	simm.s32 $0x20;
	v2 =	vld [tilespmem:s20+$0x0]  }
.LBB2_2:
0x29: {  	p0 =	sne.s32 s21, $0xFF0;
	v3 =	vld [tilespmem:s22+$0x1200];
	_ =	sdelay $0x3  }
.Ltmp0:
0x2a: {  	v2 =	vmul.f32 v2, v0;
	(pc) =	sbr.rel @p0 .LBB2_2-.Ltmp0, $4  }
0x2b: {  	s18 =	sadd.s32 $0x10, s18;
	v3 =	vmul.f32 v3, v1  }
0x2c: {  	s19 =	sadd.s32 $0x10, s19;
	[tilespmem:s18+$0x0] =	vst v2  }
0x2d: {  	s20 =	sadd.s32 $0x10, s20;
	[tilespmem:s19+$0x0] =	vst v3  }
0x2e: {  	s22 =	sxor.u32 $0x800, s21;
	s21 =	sadd.s32 $0x10, s21;
	v2 =	vld [tilespmem:s20+$0x0]  }
0x2f: {  	v3 =	vld [tilespmem:s22+$0x1200];
	_ =	sdelay $0x3  }
0x30: {  	v0 =	vmul.f32 v2, v0  }
0x31: {  	s18 =	sadd.s32 $0x10, s18;
	v1 =	vmul.f32 v3, v1  }
0x32: {  	s28 =	sadd.s32 $0x10, s19;
	[tilespmem:s18+$0x0] =	vst v0  }
0x33: {  	[tilespmem:s28+$0x0] =	vst v1  }
0x34: {  	v0 =	vld [tilespmem:$0x80]  }
0x35: {  	s29 =	simm.s32 $0x0;
	s30 =	simm.s32 $0x3200;
	v1 =	vld [tilespmem:$0x880]  }
0x36: {  	s18 =	sxor.u32 $0x400, s29;
	v2 =	vld [tilespmem:s30+$0x0]  }
0x37: {  	v3 =	vld [tilespmem:s18+$0x4200]  }
0x38: {  	s31 =	simm.s32 $0x4200;
	v4 =	vld [tilespmem:s18+$0x3200]  }
0x39: {  	v5 =	vld [tilespmem:s31+$0x0];
	_ =	sdelay $0x3  }
0x3a: {  	v2 =	vmul.f32 v2, v0;
	v3 =	vmul.f32 v3, v1  }
0x3b: {  	v5 =	vmul.f32 v5, v0;
	v4 =	vmul.f32 v4, v1  }
0x3c: {  	v2 =	vadd.f32 v3, v2  }
0x3d: {  	s18 =	simm.s32 $0x1200;
	v3 =	vsub.f32 v5, v4  }
0x3e: {  	s19 =	simm.s32 $0x2200;
	[tilespmem:s18+$0x0] =	vst v2  }
0x3f: {  	s21 =	simm.s32 $0x10;
	s20 =	simm.s32 $0x3210;
	[tilespmem:s19+$0x0] =	vst v3  }
0x40: {  	s21 =	sxor.u32 $0x400, s21;
	v2 =	vld [tilespmem:s20+$0x0]  }
0x41: {  	v4 =	vld [tilespmem:s21+$0x4200]  }
0x42: {  	s22 =	simm.s32 $0x20;
	v3 =	vld [tilespmem:s21+$0x3200];
	s21 =	simm.s32 $0x4210  }
.LBB2_4:
0x43: {  	p0 =	sne.s32 s22, $0xFF0;
	v5 =	vld [tilespmem:s21+$0x0];
	_ =	sdelay $0x3  }
0x44: {  	v2 =	vmul.f32 v2, v0;
	v4 =	vmul.f32 v4, v1  }
0x45: {  	v3 =	vmul.f32 v3, v1;
	v5 =	vmul.f32 v5, v0  }
0x46: {  	v2 =	vadd.f32 v4, v2  }
0x47: {  	s18 =	sadd.s32 $0x10, s18;
	v3 =	vsub.f32 v5, v3  }
.Ltmp1:
0x48: {  	s19 =	sadd.s32 $0x10, s19;
	[tilespmem:s18+$0x0] =	vst v2;
	(pc) =	sbr.rel @p0 .LBB2_4-.Ltmp1, $4  }
0x49: {  	s20 =	sadd.s32 $0x10, s20;
	[tilespmem:s19+$0x0] =	vst v3  }
0x4a: {  	s23 =	sxor.u32 $0x400, s22;
	v2 =	vld [tilespmem:s20+$0x0]  }
0x4b: {  	v4 =	vld [tilespmem:s23+$0x4200]  }
0x4c: {  	s22 =	sadd.s32 $0x10, s22;
	s21 =	sadd.s32 $0x10, s21;
	v3 =	vld [tilespmem:s23+$0x3200]  }
0x4d: {  	v5 =	vld [tilespmem:s21+$0x0];
	_ =	sdelay $0x3  }
0x4e: {  	v2 =	vmul.f32 v2, v0;
	v4 =	vmul.f32 v4, v1  }
0x4f: {  	v1 =	vmul.f32 v3, v1;
	v0 =	vmul.f32 v5, v0  }
0x50: {  	v2 =	vadd.f32 v4, v2  }
0x51: {  	s18 =	sadd.s32 $0x10, s18;
	v0 =	vsub.f32 v0, v1  }
0x52: {  	s26 =	sadd.s32 $0x10, s19;
	[tilespmem:s18+$0x0] =	vst v2  }
0x53: {  	[tilespmem:s26+$0x0] =	vst v0  }
0x54: {  	v0 =	vld [tilespmem:$0x100]  }
0x55: {  	s28 =	simm.s32 $0x0;
	s29 =	simm.s32 $0x1200;
	v1 =	vld [tilespmem:$0x900]  }
0x56: {  	s18 =	sxor.u32 $0x200, s28;
	v2 =	vld [tilespmem:s29+$0x0]  }
0x57: {  	v3 =	vld [tilespmem:s18+$0x2200]  }
0x58: {  	s30 =	simm.s32 $0x2200;
	v4 =	vld [tilespmem:s18+$0x1200]  }
0x59: {  	v5 =	vld [tilespmem:s30+$0x0];
	_ =	sdelay $0x3  }
0x5a: {  	v2 =	vmul.f32 v2, v0;
	v3 =	vmul.f32 v3, v1  }
0x5b: {  	v5 =	vmul.f32 v5, v0;
	v4 =	vmul.f32 v4, v1  }
0x5c: {  	v2 =	vadd.f32 v3, v2  }
0x5d: {  	s18 =	simm.s32 $0x3200;
	v3 =	vsub.f32 v5, v4  }
0x5e: {  	s19 =	simm.s32 $0x4200;
	[tilespmem:s18+$0x0] =	vst v2  }
0x5f: {  	s31 =	simm.s32 $0x10;
	s20 =	simm.s32 $0x1210;
	[tilespmem:s19+$0x0] =	vst v3  }
0x60: {  	s21 =	sxor.u32 $0x200, s31;
	v2 =	vld [tilespmem:s20+$0x0]  }
0x61: {  	v4 =	vld [tilespmem:s21+$0x2200]  }
0x62: {  	s22 =	simm.s32 $0x20;
	v3 =	vld [tilespmem:s21+$0x1200];
	s21 =	simm.s32 $0x2210  }
.LBB2_6:
0x63: {  	p0 =	sne.s32 s22, $0xFF0;
	v5 =	vld [tilespmem:s21+$0x0];
	_ =	sdelay $0x3  }
0x64: {  	v2 =	vmul.f32 v2, v0;
	v4 =	vmul.f32 v4, v1  }
0x65: {  	v3 =	vmul.f32 v3, v1;
	v5 =	vmul.f32 v5, v0  }
0x66: {  	v2 =	vadd.f32 v4, v2  }
0x67: {  	s18 =	sadd.s32 $0x10, s18;
	v3 =	vsub.f32 v5, v3  }
.Ltmp2:
0x68: {  	s19 =	sadd.s32 $0x10, s19;
	[tilespmem:s18+$0x0] =	vst v2;
	(pc) =	sbr.rel @p0 .LBB2_6-.Ltmp2, $4  }
0x69: {  	s20 =	sadd.s32 $0x10, s20;
	[tilespmem:s19+$0x0] =	vst v3  }
0x6a: {  	s23 =	sxor.u32 $0x200, s22;
	v2 =	vld [tilespmem:s20+$0x0]  }
0x6b: {  	v4 =	vld [tilespmem:s23+$0x2200]  }
0x6c: {  	s22 =	sadd.s32 $0x10, s22;
	s21 =	sadd.s32 $0x10, s21;
	v3 =	vld [tilespmem:s23+$0x1200]  }
0x6d: {  	v5 =	vld [tilespmem:s21+$0x0];
	_ =	sdelay $0x3  }
0x6e: {  	v2 =	vmul.f32 v2, v0;
	v4 =	vmul.f32 v4, v1  }
0x6f: {  	v1 =	vmul.f32 v3, v1;
	v0 =	vmul.f32 v5, v0  }
0x70: {  	v2 =	vadd.f32 v4, v2  }
0x71: {  	s18 =	sadd.s32 $0x10, s18;
	v0 =	vsub.f32 v0, v1  }
0x72: {  	s26 =	sadd.s32 $0x10, s19;
	[tilespmem:s18+$0x0] =	vst v2  }
0x73: {  	[tilespmem:s26+$0x0] =	vst v0  }
0x74: {  	v0 =	vld [tilespmem:$0x180]  }
0x75: {  	s28 =	simm.s32 $0x0;
	s29 =	simm.s32 $0x3200;
	v1 =	vld [tilespmem:$0x980]  }
0x76: {  	s18 =	sxor.u32 $0x100, s28;
	v2 =	vld [tilespmem:s29+$0x0]  }
0x77: {  	v3 =	vld [tilespmem:s18+$0x4200]  }
0x78: {  	s30 =	simm.s32 $0x4200;
	v4 =	vld [tilespmem:s18+$0x3200]  }
0x79: {  	v5 =	vld [tilespmem:s30+$0x0];
	_ =	sdelay $0x3  }
0x7a: {  	v2 =	vmul.f32 v2, v0;
	v3 =	vmul.f32 v3, v1  }
0x7b: {  	v5 =	vmul.f32 v5, v0;
	v4 =	vmul.f32 v4, v1  }
0x7c: {  	v2 =	vadd.f32 v3, v2  }
0x7d: {  	s18 =	simm.s32 $0x1200;
	v3 =	vsub.f32 v5, v4  }
0x7e: {  	s19 =	simm.s32 $0x2200;
	[tilespmem:s18+$0x0] =	vst v2  }
0x7f: {  	s31 =	simm.s32 $0x10;
	s20 =	simm.s32 $0x3210;
	[tilespmem:s19+$0x0] =	vst v3  }
0x80: {  	s21 =	sxor.u32 $0x100, s31;
	v2 =	vld [tilespmem:s20+$0x0]  }
0x81: {  	v4 =	vld [tilespmem:s21+$0x4200]  }
0x82: {  	s22 =	simm.s32 $0x20;
	v3 =	vld [tilespmem:s21+$0x3200];
	s21 =	simm.s32 $0x4210  }
.LBB2_8:
0x83: {  	p0 =	sne.s32 s22, $0xFF0;
	v5 =	vld [tilespmem:s21+$0x0];
	_ =	sdelay $0x3  }
0x84: {  	v2 =	vmul.f32 v2, v0;
	v4 =	vmul.f32 v4, v1  }
0x85: {  	v3 =	vmul.f32 v3, v1;
	v5 =	vmul.f32 v5, v0  }
0x86: {  	v2 =	vadd.f32 v4, v2  }
0x87: {  	s18 =	sadd.s32 $0x10, s18;
	v3 =	vsub.f32 v5, v3  }
.Ltmp3:
0x88: {  	s19 =	sadd.s32 $0x10, s19;
	[tilespmem:s18+$0x0] =	vst v2;
	(pc) =	sbr.rel @p0 .LBB2_8-.Ltmp3, $4  }
0x89: {  	s20 =	sadd.s32 $0x10, s20;
	[tilespmem:s19+$0x0] =	vst v3  }
0x8a: {  	s23 =	sxor.u32 $0x100, s22;
	v2 =	vld [tilespmem:s20+$0x0]  }
0x8b: {  	v4 =	vld [tilespmem:s23+$0x4200]  }
0x8c: {  	s22 =	sadd.s32 $0x10, s22;
	s21 =	sadd.s32 $0x10, s21;
	v3 =	vld [tilespmem:s23+$0x3200]  }
0x8d: {  	v5 =	vld [tilespmem:s21+$0x0];
	_ =	sdelay $0x3  }
0x8e: {  	v2 =	vmul.f32 v2, v0;
	v4 =	vmul.f32 v4, v1  }
0x8f: {  	v1 =	vmul.f32 v3, v1;
	v0 =	vmul.f32 v5, v0  }
0x90: {  	v2 =	vadd.f32 v4, v2  }
0x91: {  	s18 =	sadd.s32 $0x10, s18;
	v0 =	vsub.f32 v0, v1  }
0x92: {  	s26 =	sadd.s32 $0x10, s19;
	[tilespmem:s18+$0x0] =	vst v2  }
0x93: {  	[tilespmem:s26+$0x0] =	vst v0  }
0x94: {  	v0 =	vld [tilespmem:$0x200]  }
0x95: {  	s28 =	simm.s32 $0x0;
	s29 =	simm.s32 $0x1200;
	v1 =	vld [tilespmem:$0xA00]  }
0x96: {  	s18 =	sxor.u32 $0x80, s28;
	v2 =	vld [tilespmem:s29+$0x0]  }
0x97: {  	v3 =	vld [tilespmem:s18+$0x2200]  }
0x98: {  	s30 =	simm.s32 $0x2200;
	v4 =	vld [tilespmem:s18+$0x1200]  }
0x99: {  	v5 =	vld [tilespmem:s30+$0x0];
	_ =	sdelay $0x3  }
0x9a: {  	v2 =	vmul.f32 v2, v0;
	v3 =	vmul.f32 v3, v1  }
0x9b: {  	v5 =	vmul.f32 v5, v0;
	v4 =	vmul.f32 v4, v1  }
0x9c: {  	v2 =	vadd.f32 v3, v2  }
0x9d: {  	s18 =	simm.s32 $0x3200;
	v3 =	vsub.f32 v5, v4  }
0x9e: {  	s19 =	simm.s32 $0x4200;
	[tilespmem:s18+$0x0] =	vst v2  }
0x9f: {  	s31 =	simm.s32 $0x10;
	s20 =	simm.s32 $0x1210;
	[tilespmem:s19+$0x0] =	vst v3  }
0xa0: {  	s21 =	sxor.u32 $0x80, s31;
	v2 =	vld [tilespmem:s20+$0x0]  }
0xa1: {  	v4 =	vld [tilespmem:s21+$0x2200]  }
0xa2: {  	s22 =	simm.s32 $0x20;
	v3 =	vld [tilespmem:s21+$0x1200];
	s21 =	simm.s32 $0x2210  }
.LBB2_10:
0xa3: {  	p0 =	sne.s32 s22, $0xFF0;
	v5 =	vld [tilespmem:s21+$0x0];
	_ =	sdelay $0x3  }
0xa4: {  	v2 =	vmul.f32 v2, v0;
	v4 =	vmul.f32 v4, v1  }
0xa5: {  	v3 =	vmul.f32 v3, v1;
	v5 =	vmul.f32 v5, v0  }
0xa6: {  	v2 =	vadd.f32 v4, v2  }
0xa7: {  	s18 =	sadd.s32 $0x10, s18;
	v3 =	vsub.f32 v5, v3  }
.Ltmp4:
0xa8: {  	s19 =	sadd.s32 $0x10, s19;
	[tilespmem:s18+$0x0] =	vst v2;
	(pc) =	sbr.rel @p0 .LBB2_10-.Ltmp4, $4  }
0xa9: {  	s20 =	sadd.s32 $0x10, s20;
	[tilespmem:s19+$0x0] =	vst v3  }
0xaa: {  	s23 =	sxor.u32 $0x80, s22;
	v2 =	vld [tilespmem:s20+$0x0]  }
0xab: {  	v4 =	vld [tilespmem:s23+$0x2200]  }
0xac: {  	s22 =	sadd.s32 $0x10, s22;
	s21 =	sadd.s32 $0x10, s21;
	v3 =	vld [tilespmem:s23+$0x1200]  }
0xad: {  	v5 =	vld [tilespmem:s21+$0x0];
	_ =	sdelay $0x3  }
0xae: {  	v2 =	vmul.f32 v2, v0;
	v4 =	vmul.f32 v4, v1  }
0xaf: {  	v1 =	vmul.f32 v3, v1;
	v0 =	vmul.f32 v5, v0  }
0xb0: {  	v2 =	vadd.f32 v4, v2  }
0xb1: {  	s18 =	sadd.s32 $0x10, s18;
	v0 =	vsub.f32 v0, v1  }
0xb2: {  	s26 =	sadd.s32 $0x10, s19;
	[tilespmem:s18+$0x0] =	vst v2  }
0xb3: {  	[tilespmem:s26+$0x0] =	vst v0  }
0xb4: {  	v0 =	vld [tilespmem:$0x280]  }
0xb5: {  	s28 =	simm.s32 $0x0;
	s29 =	simm.s32 $0x3200;
	v1 =	vld [tilespmem:$0xA80]  }
0xb6: {  	s18 =	sxor.u32 $0x40, s28;
	v2 =	vld [tilespmem:s29+$0x0]  }
0xb7: {  	v3 =	vld [tilespmem:s18+$0x4200]  }
0xb8: {  	s30 =	simm.s32 $0x4200;
	v4 =	vld [tilespmem:s18+$0x3200]  }
0xb9: {  	v5 =	vld [tilespmem:s30+$0x0];
	_ =	sdelay $0x3  }
0xba: {  	v2 =	vmul.f32 v2, v0;
	v3 =	vmul.f32 v3, v1  }
0xbb: {  	v5 =	vmul.f32 v5, v0;
	v4 =	vmul.f32 v4, v1  }
0xbc: {  	v2 =	vadd.f32 v3, v2  }
0xbd: {  	s18 =	simm.s32 $0x1200;
	v3 =	vsub.f32 v5, v4  }
0xbe: {  	s19 =	simm.s32 $0x2200;
	[tilespmem:s18+$0x0] =	vst v2  }
0xbf: {  	s31 =	simm.s32 $0x10;
	s20 =	simm.s32 $0x3210;
	[tilespmem:s19+$0x0] =	vst v3  }
0xc0: {  	s21 =	sxor.u32 $0x40, s31;
	v2 =	vld [tilespmem:s20+$0x0]  }
0xc1: {  	v4 =	vld [tilespmem:s21+$0x4200]  }
0xc2: {  	s22 =	simm.s32 $0x20;
	v3 =	vld [tilespmem:s21+$0x3200];
	s21 =	simm.s32 $0x4210  }
.LBB2_12:
0xc3: {  	p0 =	sne.s32 s22, $0xFF0;
	v5 =	vld [tilespmem:s21+$0x0];
	_ =	sdelay $0x3  }
0xc4: {  	v2 =	vmul.f32 v2, v0;
	v4 =	vmul.f32 v4, v1  }
0xc5: {  	v3 =	vmul.f32 v3, v1;
	v5 =	vmul.f32 v5, v0  }
0xc6: {  	v2 =	vadd.f32 v4, v2  }
0xc7: {  	s18 =	sadd.s32 $0x10, s18;
	v3 =	vsub.f32 v5, v3  }
.Ltmp5:
0xc8: {  	s19 =	sadd.s32 $0x10, s19;
	[tilespmem:s18+$0x0] =	vst v2;
	(pc) =	sbr.rel @p0 .LBB2_12-.Ltmp5, $4  }
0xc9: {  	s20 =	sadd.s32 $0x10, s20;
	[tilespmem:s19+$0x0] =	vst v3  }
0xca: {  	s23 =	sxor.u32 $0x40, s22;
	v2 =	vld [tilespmem:s20+$0x0]  }
0xcb: {  	v4 =	vld [tilespmem:s23+$0x4200]  }
0xcc: {  	s22 =	sadd.s32 $0x10, s22;
	s21 =	sadd.s32 $0x10, s21;
	v3 =	vld [tilespmem:s23+$0x3200]  }
0xcd: {  	v5 =	vld [tilespmem:s21+$0x0];
	_ =	sdelay $0x3  }
0xce: {  	v2 =	vmul.f32 v2, v0;
	v4 =	vmul.f32 v4, v1  }
0xcf: {  	v1 =	vmul.f32 v3, v1;
	v0 =	vmul.f32 v5, v0  }
0xd0: {  	v2 =	vadd.f32 v4, v2  }
0xd1: {  	s18 =	sadd.s32 $0x10, s18;
	v0 =	vsub.f32 v0, v1  }
0xd2: {  	s26 =	sadd.s32 $0x10, s19;
	[tilespmem:s18+$0x0] =	vst v2  }
0xd3: {  	[tilespmem:s26+$0x0] =	vst v0  }
0xd4: {  	v0 =	vld [tilespmem:$0x300]  }
0xd5: {  	s28 =	simm.s32 $0x0;
	s29 =	simm.s32 $0x1200;
	v1 =	vld [tilespmem:$0xB00]  }
0xd6: {  	s18 =	sxor.u32 $0x20, s28;
	v2 =	vld [tilespmem:s29+$0x0]  }
0xd7: {  	v3 =	vld [tilespmem:s18+$0x2200]  }
0xd8: {  	s30 =	simm.s32 $0x2200;
	v4 =	vld [tilespmem:s18+$0x1200]  }
0xd9: {  	v5 =	vld [tilespmem:s30+$0x0];
	_ =	sdelay $0x3  }
0xda: {  	v2 =	vmul.f32 v2, v0;
	v3 =	vmul.f32 v3, v1  }
0xdb: {  	v5 =	vmul.f32 v5, v0;
	v4 =	vmul.f32 v4, v1  }
0xdc: {  	v2 =	vadd.f32 v3, v2  }
0xdd: {  	s18 =	simm.s32 $0x3200;
	v3 =	vsub.f32 v5, v4  }
0xde: {  	s19 =	simm.s32 $0x4200;
	[tilespmem:s18+$0x0] =	vst v2  }
0xdf: {  	s31 =	simm.s32 $0x10;
	s20 =	simm.s32 $0x1210;
	[tilespmem:s19+$0x0] =	vst v3  }
0xe0: {  	s21 =	sxor.u32 $0x20, s31;
	v2 =	vld [tilespmem:s20+$0x0]  }
0xe1: {  	v4 =	vld [tilespmem:s21+$0x2200]  }
0xe2: {  	s22 =	simm.s32 $0x20;
	v3 =	vld [tilespmem:s21+$0x1200];
	s21 =	simm.s32 $0x2210  }
.LBB2_14:
0xe3: {  	p0 =	sne.s32 s22, $0xFF0;
	v5 =	vld [tilespmem:s21+$0x0];
	_ =	sdelay $0x3  }
0xe4: {  	v2 =	vmul.f32 v2, v0;
	v4 =	vmul.f32 v4, v1  }
0xe5: {  	v3 =	vmul.f32 v3, v1;
	v5 =	vmul.f32 v5, v0  }
0xe6: {  	v2 =	vadd.f32 v4, v2  }
0xe7: {  	s18 =	sadd.s32 $0x10, s18;
	v3 =	vsub.f32 v5, v3  }
.Ltmp6:
0xe8: {  	s19 =	sadd.s32 $0x10, s19;
	[tilespmem:s18+$0x0] =	vst v2;
	(pc) =	sbr.rel @p0 .LBB2_14-.Ltmp6, $4  }
0xe9: {  	s20 =	sadd.s32 $0x10, s20;
	[tilespmem:s19+$0x0] =	vst v3  }
0xea: {  	s23 =	sxor.u32 $0x20, s22;
	v2 =	vld [tilespmem:s20+$0x0]  }
0xeb: {  	v4 =	vld [tilespmem:s23+$0x2200]  }
0xec: {  	s22 =	sadd.s32 $0x10, s22;
	s21 =	sadd.s32 $0x10, s21;
	v3 =	vld [tilespmem:s23+$0x1200]  }
0xed: {  	v5 =	vld [tilespmem:s21+$0x0];
	_ =	sdelay $0x3  }
0xee: {  	v2 =	vmul.f32 v2, v0;
	v4 =	vmul.f32 v4, v1  }
0xef: {  	v1 =	vmul.f32 v3, v1;
	v0 =	vmul.f32 v5, v0  }
0xf0: {  	v2 =	vadd.f32 v4, v2  }
0xf1: {  	s18 =	sadd.s32 $0x10, s18;
	v0 =	vsub.f32 v0, v1  }
0xf2: {  	s26 =	sadd.s32 $0x10, s19;
	[tilespmem:s18+$0x0] =	vst v2  }
0xf3: {  	[tilespmem:s26+$0x0] =	vst v0  }
0xf4: {  	v0 =	vld [tilespmem:$0x380]  }
0xf5: {  	s28 =	simm.s32 $0x0;
	s29 =	simm.s32 $0x3200;
	v1 =	vld [tilespmem:$0xB80]  }
0xf6: {  	s18 =	sxor.u32 $0x10, s28;
	v2 =	vld [tilespmem:s29+$0x0]  }
0xf7: {  	v3 =	vld [tilespmem:s18+$0x4200]  }
0xf8: {  	s30 =	simm.s32 $0x4200;
	v4 =	vld [tilespmem:s18+$0x3200]  }
0xf9: {  	v5 =	vld [tilespmem:s30+$0x0];
	_ =	sdelay $0x3  }
0xfa: {  	v2 =	vmul.f32 v2, v0;
	v3 =	vmul.f32 v3, v1  }
0xfb: {  	v5 =	vmul.f32 v5, v0;
	v4 =	vmul.f32 v4, v1  }
0xfc: {  	v2 =	vadd.f32 v3, v2  }
0xfd: {  	s18 =	simm.s32 $0x1200;
	v3 =	vsub.f32 v5, v4  }
0xfe: {  	s19 =	simm.s32 $0x2200;
	[tilespmem:s18+$0x0] =	vst v2  }
0xff: {  	s31 =	simm.s32 $0x10;
	s20 =	simm.s32 $0x3210;
	[tilespmem:s19+$0x0] =	vst v3  }
0x100: {  	s21 =	sxor.u32 $0x10, s31;
	v2 =	vld [tilespmem:s20+$0x0]  }
0x101: {  	v4 =	vld [tilespmem:s21+$0x4200]  }
0x102: {  	s22 =	simm.s32 $0x20;
	v3 =	vld [tilespmem:s21+$0x3200];
	s21 =	simm.s32 $0x4210  }
.LBB2_16:
0x103: {  	p0 =	sne.s32 s22, $0xFF0;
	v5 =	vld [tilespmem:s21+$0x0];
	_ =	sdelay $0x3  }
0x104: {  	v2 =	vmul.f32 v2, v0;
	v4 =	vmul.f32 v4, v1  }
0x105: {  	v3 =	vmul.f32 v3, v1;
	v5 =	vmul.f32 v5, v0  }
0x106: {  	v2 =	vadd.f32 v4, v2  }
0x107: {  	s18 =	sadd.s32 $0x10, s18;
	v3 =	vsub.f32 v5, v3  }
.Ltmp7:
0x108: {  	s19 =	sadd.s32 $0x10, s19;
	[tilespmem:s18+$0x0] =	vst v2;
	(pc) =	sbr.rel @p0 .LBB2_16-.Ltmp7, $4  }
0x109: {  	s20 =	sadd.s32 $0x10, s20;
	[tilespmem:s19+$0x0] =	vst v3  }
0x10a: {  	s23 =	sxor.u32 $0x10, s22;
	v2 =	vld [tilespmem:s20+$0x0]  }
0x10b: {  	v4 =	vld [tilespmem:s23+$0x4200]  }
0x10c: {  	s22 =	sadd.s32 $0x10, s22;
	s21 =	sadd.s32 $0x10, s21;
	v3 =	vld [tilespmem:s23+$0x3200]  }
0x10d: {  	v5 =	vld [tilespmem:s21+$0x0];
	_ =	sdelay $0x3  }
0x10e: {  	v2 =	vmul.f32 v2, v0;
	v4 =	vmul.f32 v4, v1  }
0x10f: {  	v1 =	vmul.f32 v3, v1;
	v0 =	vmul.f32 v5, v0  }
0x110: {  	v2 =	vadd.f32 v4, v2  }
0x111: {  	s18 =	sadd.s32 $0x10, s18;
	v0 =	vsub.f32 v0, v1  }
0x112: {  	s31 =	sadd.s32 $0x10, s19;
	[tilespmem:s18+$0x0] =	vst v2  }
0x113: {  	[tilespmem:s31+$0x0] =	vst v0  }
0x114: {  	v0 =	vld [tilespmem:$0x400]  }
0x115: {  	s18 =	simm.s32 $0x0;
	v2 =	vld [tilespmem:$0x1000]  }
0x116: {  	v4 =	vld [tilespmem:s18+$0x1200]  }
0x117: {  	v3 =	vld [tilespmem:s18+$0x2200]  }
0x118: {  	v1 =	vld [tilespmem:$0xC00];
	_ =	sdelay $0x1  }
0x119: {  	v2 =	vand.u32 $0xF, v2  }
0x11a: {  	s19 =	simm.s32 $0x10;
	v5 =	vperm.xlane v4, v2  }
0x11b: {  	v6 =	vmul.f32 v3, v0;
	v8 =	vperm.xlane v3, v2;
	v3 =	vld [tilespmem:s19+$0x1200]  }
0x11c: {  	v7 =	vmul.f32 v5, v1  }
0x11d: {  	v5 =	vld [tilespmem:s19+$0x2200]  }
0x11e: {  	v6 =	vsub.f32 v6, v7  }
0x11f: {  	s20 =	simm.s32 $0x80;
	v4 =	vmul.f32 v4, v0;
	v7 =	vmul.f32 v8, v1  }
.LBB2_18:
0x120: {  	s21 =	sshra.s32 s20, $0x2;
	p0 =	sne.s32 s20, $0x3FC0;
	s20 =	sadd.s32 $0x40, s20;
	v8 =	vperm.xlane v3, v2;
	v9 =	vmul.f32 v3, v0;
	[tilespmem:s18+$0x4200] =	vst v6  }
.Ltmp8:
0x121: {  	v3 =	vld [tilespmem:s21+$0x1200];
	v6 =	vadd.f32 v7, v4;
	(pc) =	sbr.rel @p0 .LBB2_18-.Ltmp8, $4  }
0x122: {  	v7 =	vmul.f32 v5, v0;
	v8 =	vmul.f32 v8, v1;
	v4 =	vmov v9  }
0x123: {  	v9 =	vperm.xlane v5, v2;
	v5 =	vld [tilespmem:s21+$0x2200];
	[tilespmem:s18+$0x3200] =	vst v6;
	s18 =	smov.u32 s19;
	s19 =	smov.u32 s21  }
0x124: {  	v6 =	vsub.f32 v7, v8  }
0x125: {  	v7 =	vmul.f32 v9, v1  }
0x126: {  	_ = 	snop  }
0x127: {  	v8 =	vperm.xlane v3, v2  }
0x128: {  	v2 =	vperm.xlane v5, v2  }
0x129: {  	v5 =	vmul.f32 v5, v0;
	v8 =	vmul.f32 v8, v1  }
0x12a: {  	v0 =	vmul.f32 v3, v0;
	v3 =	vadd.f32 v7, v4;
	v1 =	vmul.f32 v2, v1  }
0x12b: {  	[tilespmem:s18+$0x4200] =	vst v6;
	v2 =	vsub.f32 v5, v8  }
0x12c: {  	[tilespmem:s18+$0x3200] =	vst v3;
	v0 =	vadd.f32 v1, v0  }
0x12d: {  	[tilespmem:s19+$0x4200] =	vst v2  }
0x12e: {  	[tilespmem:s19+$0x3200] =	vst v0  }
0x12f: {  	v0 =	vld [tilespmem:$0x480]  }
0x130: {  	s18 =	simm.s32 $0x0;
	v2 =	vld [tilespmem:$0x1080]  }
0x131: {  	v4 =	vld [tilespmem:s18+$0x3200]  }
0x132: {  	v3 =	vld [tilespmem:s18+$0x4200]  }
0x133: {  	v1 =	vld [tilespmem:$0xC80];
	_ =	sdelay $0x1  }
0x134: {  	v2 =	vand.u32 $0xF, v2  }
0x135: {  	s19 =	simm.s32 $0x10;
	v5 =	vperm.xlane v4, v2  }
0x136: {  	v6 =	vmul.f32 v3, v0;
	v8 =	vperm.xlane v3, v2;
	v3 =	vld [tilespmem:s19+$0x3200]  }
0x137: {  	v7 =	vmul.f32 v5, v1  }
0x138: {  	v5 =	vld [tilespmem:s19+$0x4200]  }
0x139: {  	v6 =	vsub.f32 v6, v7  }
0x13a: {  	s20 =	simm.s32 $0x80;
	v4 =	vmul.f32 v4, v0;
	v7 =	vmul.f32 v8, v1  }
.LBB2_20:
0x13b: {  	s21 =	sshra.s32 s20, $0x2;
	p0 =	sne.s32 s20, $0x3FC0;
	s20 =	sadd.s32 $0x40, s20;
	v8 =	vperm.xlane v3, v2;
	v9 =	vmul.f32 v3, v0;
	[tilespmem:s18+$0x2200] =	vst v6  }
.Ltmp9:
0x13c: {  	v3 =	vld [tilespmem:s21+$0x3200];
	v6 =	vadd.f32 v7, v4;
	(pc) =	sbr.rel @p0 .LBB2_20-.Ltmp9, $4  }
0x13d: {  	v7 =	vmul.f32 v5, v0;
	v8 =	vmul.f32 v8, v1;
	v4 =	vmov v9  }
0x13e: {  	v9 =	vperm.xlane v5, v2;
	v5 =	vld [tilespmem:s21+$0x4200];
	[tilespmem:s18+$0x1200] =	vst v6;
	s18 =	smov.u32 s19;
	s19 =	smov.u32 s21  }
0x13f: {  	v6 =	vsub.f32 v7, v8  }
0x140: {  	v7 =	vmul.f32 v9, v1  }
0x141: {  	_ = 	snop  }
0x142: {  	v8 =	vperm.xlane v3, v2  }
0x143: {  	v2 =	vperm.xlane v5, v2  }
0x144: {  	v5 =	vmul.f32 v5, v0;
	v8 =	vmul.f32 v8, v1  }
0x145: {  	v0 =	vmul.f32 v3, v0;
	v3 =	vadd.f32 v7, v4;
	v1 =	vmul.f32 v2, v1  }
0x146: {  	[tilespmem:s18+$0x2200] =	vst v6;
	v2 =	vsub.f32 v5, v8  }
0x147: {  	[tilespmem:s18+$0x1200] =	vst v3;
	v0 =	vadd.f32 v1, v0  }
0x148: {  	[tilespmem:s19+$0x2200] =	vst v2  }
0x149: {  	[tilespmem:s19+$0x1200] =	vst v0  }
0x14a: {  	v0 =	vld [tilespmem:$0x500]  }
0x14b: {  	s18 =	simm.s32 $0x0;
	v2 =	vld [tilespmem:$0x1100]  }
0x14c: {  	v4 =	vld [tilespmem:s18+$0x1200]  }
0x14d: {  	v3 =	vld [tilespmem:s18+$0x2200]  }
0x14e: {  	v1 =	vld [tilespmem:$0xD00];
	_ =	sdelay $0x1  }
0x14f: {  	v2 =	vand.u32 $0xF, v2  }
0x150: {  	s19 =	simm.s32 $0x10;
	v5 =	vperm.xlane v4, v2  }
0x151: {  	v6 =	vmul.f32 v3, v0;
	v8 =	vperm.xlane v3, v2;
	v3 =	vld [tilespmem:s19+$0x1200]  }
0x152: {  	v7 =	vmul.f32 v5, v1  }
0x153: {  	v5 =	vld [tilespmem:s19+$0x2200]  }
0x154: {  	v6 =	vsub.f32 v6, v7  }
0x155: {  	s20 =	simm.s32 $0x80;
	v4 =	vmul.f32 v4, v0;
	v7 =	vmul.f32 v8, v1  }
.LBB2_22:
0x156: {  	s21 =	sshra.s32 s20, $0x2;
	p0 =	sne.s32 s20, $0x3FC0;
	s20 =	sadd.s32 $0x40, s20;
	v8 =	vperm.xlane v3, v2;
	v9 =	vmul.f32 v3, v0;
	[tilespmem:s18+$0x4200] =	vst v6  }
.Ltmp10:
0x157: {  	v3 =	vld [tilespmem:s21+$0x1200];
	v6 =	vadd.f32 v7, v4;
	(pc) =	sbr.rel @p0 .LBB2_22-.Ltmp10, $4  }
0x158: {  	v7 =	vmul.f32 v5, v0;
	v8 =	vmul.f32 v8, v1;
	v4 =	vmov v9  }
0x159: {  	v9 =	vperm.xlane v5, v2;
	v5 =	vld [tilespmem:s21+$0x2200];
	[tilespmem:s18+$0x3200] =	vst v6;
	s18 =	smov.u32 s19;
	s19 =	smov.u32 s21  }
0x15a: {  	v6 =	vsub.f32 v7, v8  }
0x15b: {  	v7 =	vmul.f32 v9, v1  }
0x15c: {  	_ = 	snop  }
0x15d: {  	v8 =	vperm.xlane v3, v2  }
0x15e: {  	v2 =	vperm.xlane v5, v2  }
0x15f: {  	v5 =	vmul.f32 v5, v0;
	v8 =	vmul.f32 v8, v1  }
0x160: {  	v0 =	vmul.f32 v3, v0;
	v3 =	vadd.f32 v7, v4;
	v1 =	vmul.f32 v2, v1  }
0x161: {  	[tilespmem:s18+$0x4200] =	vst v6;
	v2 =	vsub.f32 v5, v8  }
0x162: {  	[tilespmem:s18+$0x3200] =	vst v3;
	v0 =	vadd.f32 v1, v0  }
0x163: {  	[tilespmem:s19+$0x4200] =	vst v2  }
0x164: {  	[tilespmem:s19+$0x3200] =	vst v0  }
0x165: {  	v0 =	vld [tilespmem:$0x580]  }
0x166: {  	s18 =	simm.s32 $0x0;
	v2 =	vld [tilespmem:$0x1180]  }
0x167: {  	v4 =	vld [tilespmem:s18+$0x3200]  }
0x168: {  	v3 =	vld [tilespmem:s18+$0x4200]  }
0x169: {  	v1 =	vld [tilespmem:$0xD80];
	_ =	sdelay $0x1  }
0x16a: {  	v2 =	vand.u32 $0xF, v2  }
0x16b: {  	s19 =	simm.s32 $0x10;
	v5 =	vperm.xlane v4, v2  }
0x16c: {  	v6 =	vmul.f32 v3, v0;
	v8 =	vperm.xlane v3, v2;
	v3 =	vld [tilespmem:s19+$0x3200]  }
0x16d: {  	v7 =	vmul.f32 v5, v1  }
0x16e: {  	v5 =	vld [tilespmem:s19+$0x4200]  }
0x16f: {  	v6 =	vsub.f32 v6, v7  }
0x170: {  	s20 =	simm.s32 $0x80;
	v4 =	vmul.f32 v4, v0;
	v7 =	vmul.f32 v8, v1  }
.LBB2_24:
0x171: {  	s21 =	sshra.s32 s20, $0x2;
	p0 =	sne.s32 s20, $0x3FC0;
	s20 =	sadd.s32 $0x40, s20;
	v8 =	vperm.xlane v3, v2;
	v9 =	vmul.f32 v3, v0;
	[tilespmem:s18+$0x2200] =	vst v6  }
.Ltmp11:
0x172: {  	v3 =	vld [tilespmem:s21+$0x3200];
	v6 =	vadd.f32 v7, v4;
	(pc) =	sbr.rel @p0 .LBB2_24-.Ltmp11, $4  }
0x173: {  	v7 =	vmul.f32 v5, v0;
	v8 =	vmul.f32 v8, v1;
	v4 =	vmov v9  }
0x174: {  	v9 =	vperm.xlane v5, v2;
	v5 =	vld [tilespmem:s21+$0x4200];
	[tilespmem:s18+$0x1200] =	vst v6;
	s18 =	smov.u32 s19;
	s19 =	smov.u32 s21  }
0x175: {  	v6 =	vsub.f32 v7, v8  }
0x176: {  	v7 =	vmul.f32 v9, v1  }
0x177: {  	_ = 	snop  }
0x178: {  	v8 =	vperm.xlane v3, v2  }
0x179: {  	v58 =	vperm.xlane v5, v2  }
0x17a: {  	v59 =	vmul.f32 v5, v0;
	v8 =	vmul.f32 v8, v1  }
0x17b: {  	v60 =	vmul.f32 v3, v0;
	v61 =	vadd.f32 v7, v4;
	v62 =	vmul.f32 v58, v1  }
0x17c: {  	[tilespmem:s18+$0x2200] =	vst v6;
	v63 =	vsub.f32 v59, v8  }
0x17d: {  	[tilespmem:s18+$0x1200] =	vst v61;
	v0 =	vadd.f32 v62, v60  }
0x17e: {  	[tilespmem:s19+$0x2200] =	vst v63  }
0x17f: {  	[tilespmem:s19+$0x1200] =	vst v0  }
0x180: {  	[hbm4b:s7+s10] =	stream.strided.scatter [tilespmem:s15], [sflag:$0x1], $0x1000, s11, s10, $0x38;
	[tilespmem:$0x5200] =	vst v63  }
0x181: {  	s17 =	sadd.s32 $0x1, s17;
	_ =	swait.ge [sflag:s12], $0x1000  }
0x182: {  	p0 =	sne.s32 s17, s9;
	[sflag:s12] =	ssyncset.done $0x0  }
.Ltmp12:
0x183: {  	[sflag:s12] =	ssyncadd.s32 $0xFFFFF000;
	(pc) =	sbr.rel @p0 .LBB2_1-.Ltmp12, $4  }
0x184: {  	[hbm4b:s8+s10] =	stream.strided.scatter [tilespmem:s16], [sflag:$0x1], $0x1000, s11, s10, $0x38;
	[tilespmem:$0x5200] =	vst v63  }
0x185: {  	_ =	swait.ge [sflag:s12], $0x1000  }
0x186: {  	[sflag:s12] =	ssyncset.done $0x0  }
0x187: {  	[sflag:s12] =	ssyncadd.s32 $0xFFFFF000  }
0x188: {  	_ =	sfence.sel $0x180000  }
0x189: {  	[bflag:$0x0] =	sbarrier.arrive $0xFFFF  }
0x18a: {  	p0 =	sne.s32 s2, $0x0;
	_ =	strace $0x90000047  }
0x18b: {  	s0 =	sadd.s32 @!p0 $0x100000, s0;
	[bflag:$0x2] =	sbarrier.arrive $0xFFFF  }
0x18c: {  	[sflag:s0] =	ssyncadd.tile.s32 @!p0 $0x1;
	_ =	shalt  }
.Lfunc_end2:
_tile_overlayer_lowered:
.L_overlay_start_2:
0x18d: {  	(tag) =	ssettag $0x2  }
0x18e: {  	s0 =	rddreg [dreg:$0x0];
	s2 =	stileid.u32  }
0x18f: {  	s1 =	rddreg [dreg:$0x1];
	p0 =	sne.s32 s2, $0x0  }
0x190: {  	s3 =	rddreg [dreg:$0x2];
	[bflag:$0x3] =	sbarrier.arrive $0xFFFF;
	s2 =	simm.s32 @!p0 $0x1C01  }
0x191: {  	[timem:s3], [sflag:s2] =	dma.local @!p0 [hbm:s0], s1  }
0x192: {  	s0 =	simm.s32 @!p0 $0x1  }
0x193: {  	_ =	swait.ge @!p0 [sflag:s0], s1  }
0x194: {  	s1 =	ssub.s32 @!p0 $0x0, s1;
	[sflag:s0] =	ssyncset.done @!p0 $0x0  }
0x195: {  	[sflag:s0] =	ssyncadd.s32 @!p0 s1  }
0x196: {  	[bflag:$0x3] =	sbarrier.arrive $0xFFFF  }
0x197: {  	_ =	shalt  }

</sc_bundles>
